<compile_context>
chip_gen: v7x
topology: tpu7x:2x2x1
jax: 0.10.2.dev20260603
libtpu: 0.0.44.dev20260713+nightly
codegen_flags: <defaults>
</compile_context>

<pallas_src>
import jax
import jax.numpy as jnp
from jax.experimental import pallas as pl
from jax.experimental.pallas import tpu as pltpu

DIM = 4
NHID = 64
N = 2048
RADIUS2 = 0.2 * 0.2
EPS = 1e-5
BD = 128
BS = 128

def _enc_kernel(x_ref, w_ref, b_ref, out_ref):
    out_ref[...] = (
        jnp.dot(x_ref[...], w_ref[...], preferred_element_type=jnp.float32)
        + b_ref[...]
    )


def _msg_kernel(keep_ref, xd_ref, xs_ref, hd_ref, hs_ref, w1t_ref, w1b_ref,
                b1_ref, w2_ref, b2_ref, out_ref):
    i = pl.program_id(0)
    j = pl.program_id(1)

    @pl.when(j == 0)
    def _():
        out_ref[...] = jnp.zeros_like(out_ref)

    @pl.when(keep_ref[i, j] != 0)
    def _():
        A = jnp.dot(hd_ref[...], w1t_ref[...],
                    preferred_element_type=jnp.float32)
        B = jnp.dot(hs_ref[...], w1b_ref[...],
                    preferred_element_type=jnp.float32)
        A2 = jnp.concatenate([A, A], axis=1)
        B2 = jnp.concatenate([B[:BS], B[BS:]], axis=1)
        H = jax.nn.relu(A2[:, None, :] + B2[None, :, :] + b1_ref[...])
        Hf = H.reshape(BD * BS, 2 * NHID)
        M = jax.nn.relu(
            jnp.dot(Hf, w2_ref[...], preferred_element_type=jnp.float32)
            + b2_ref[...]
        ).reshape(BD, BS, 2 * NHID)
        xd = xd_ref[...]
        xsT = xs_ref[...].T
        d2 = jnp.zeros((BD, 2 * BS), jnp.float32)
        for k in range(DIM):
            dk = xd[:, k:k + 1] - xsT[k:k + 1, :]
            d2 = d2 + dk * dk
        mf = (d2 <= RADIUS2).astype(jnp.float32)
        sa = jnp.sum(M * mf[:, :BS, None], axis=1)
        sb = jnp.sum(M * mf[:, BS:, None], axis=1)
        out_ref[...] = out_ref[...] + (sa[:, :NHID] + sb[:, NHID:])


def _upd_kernel(h_ref, agg_ref, u1t_ref, u1b_ref, b1_ref, u2_ref, b2_ref,
                out_ref):
    h = h_ref[...]
    U = jax.nn.relu(
        jnp.dot(h, u1t_ref[...], preferred_element_type=jnp.float32)
        + jnp.dot(agg_ref[...], u1b_ref[...], preferred_element_type=jnp.float32)
        + b1_ref[...]
    )
    U2 = jax.nn.relu(
        jnp.dot(U, u2_ref[...], preferred_element_type=jnp.float32)
        + b2_ref[...]
    )
    mean = jnp.mean(U2, axis=0, keepdims=True)
    c = U2 - mean
    var = jnp.mean(c * c, axis=0, keepdims=True)
    out_ref[...] = c / jnp.sqrt(var + EPS) + h


def _dec_kernel(h_ref, w_ref, b_ref, out_ref):
    out_ref[...] = jax.nn.sigmoid(
        jnp.dot(h_ref[...], w_ref[...], preferred_element_type=jnp.float32)
        + b_ref[...]
    )


def _disc_kernel(xd_ref, xs_ref, sum1_ref, sum2_ref):
    i = pl.program_id(0)
    j = pl.program_id(1)
    xd = xd_ref[...]
    xsT = xs_ref[...].T
    p = jnp.ones((BD, BS), jnp.float32)
    for k in range(DIM):
        p = p * (1.0 - jnp.maximum(xd[:, k:k + 1], xsT[k:k + 1, :]))
    ts = jnp.sum(jnp.sum(p, axis=1, keepdims=True), axis=0, keepdims=True)

    q = jnp.ones((BD, 1), jnp.float32)
    for k in range(DIM):
        xk = xd[:, k:k + 1]
        q = q * (1.0 - xk * xk)
    s1 = jnp.sum(q, axis=0, keepdims=True)

    first = (i == 0) & (j == 0)

    @pl.when(first)
    def _():
        sum2_ref[...] = ts
        sum1_ref[...] = s1

    @pl.when(jnp.logical_not(first))
    def _():
        sum2_ref[...] = sum2_ref[...] + ts

    @pl.when(jnp.logical_not(first) & (j == 0))
    def _():
        sum1_ref[...] = sum1_ref[...] + s1


def _full(shape):
    return pl.BlockSpec(shape, lambda *_: tuple(0 for _ in shape))


def kernel(initial_points, enc_W, enc_b, layers, dec_W, dec_b):
    perm = jnp.argsort(initial_points[:, 0])
    x = initial_points[perm]
    nd = N // BD
    ns2 = N // (2 * BS)

    x0 = x[:, 0]
    dblk = x0.reshape(nd, BD)
    sblk = x0.reshape(ns2, 2 * BS)
    dmin, dmax = dblk[:, 0], dblk[:, -1]
    smin, smax = sblk[:, 0], sblk[:, -1]
    gap = jnp.maximum(
        jnp.maximum(smin[None, :] - dmax[:, None], dmin[:, None] - smax[None, :]),
        0.0)
    keep = (gap * gap <= RADIUS2).astype(jnp.int32)

    h = pl.pallas_call(
        _enc_kernel,
        out_shape=jax.ShapeDtypeStruct((N, NHID), jnp.float32),
    )(x, enc_W, enc_b.reshape(1, NHID))

    msg_call = pl.pallas_call(
        _msg_kernel,
        grid_spec=pltpu.PrefetchScalarGridSpec(
            num_scalar_prefetch=1,
            grid=(nd, ns2),
            in_specs=[
                pl.BlockSpec((BD, DIM), lambda i, j, k: (i, 0)),
                pl.BlockSpec((2 * BS, DIM), lambda i, j, k: (j, 0)),
                pl.BlockSpec((BD, NHID), lambda i, j, k: (i, 0)),
                pl.BlockSpec((2 * BS, NHID), lambda i, j, k: (j, 0)),
                _full((NHID, NHID)),
                _full((NHID, NHID)),
                _full((1, 2 * NHID)),
                _full((2 * NHID, 2 * NHID)),
                _full((1, 2 * NHID)),
            ],
            out_specs=pl.BlockSpec((BD, NHID), lambda i, j, k: (i, 0)),
        ),
        out_shape=jax.ShapeDtypeStruct((N, NHID), jnp.float32),
        compiler_params=pltpu.CompilerParams(
            dimension_semantics=("parallel", "arbitrary")),
    )

    upd_call = pl.pallas_call(
        _upd_kernel,
        out_shape=jax.ShapeDtypeStruct((N, NHID), jnp.float32),
    )

    zero = jnp.zeros((NHID, NHID), jnp.float32)
    for p in layers:
        w2d = jnp.block([[p["m2W"], zero], [zero, p["m2W"]]])
        b1d = jnp.tile(p["m1b"], 2).reshape(1, 2 * NHID)
        b2d = jnp.tile(p["m2b"], 2).reshape(1, 2 * NHID)
        agg = msg_call(
            keep, x, x, h, h,
            p["m1W"][:NHID], p["m1W"][NHID:], b1d, w2d, b2d,
        )
        h = upd_call(
            h, agg,
            p["u1W"][:NHID], p["u1W"][NHID:], p["u1b"].reshape(1, NHID),
            p["u2W"], p["u2b"].reshape(1, NHID),
        )

    x_dec = pl.pallas_call(
        _dec_kernel,
        out_shape=jax.ShapeDtypeStruct((N, DIM), jnp.float32),
    )(h, dec_W, dec_b.reshape(1, DIM))

    sum1, sum2 = pl.pallas_call(
        _disc_kernel,
        grid=(nd, N // BS),
        in_specs=[
            pl.BlockSpec((BD, DIM), lambda i, j: (i, 0)),
            pl.BlockSpec((BS, DIM), lambda i, j: (j, 0)),
        ],
        out_specs=[
            pl.BlockSpec((1, 1), lambda i, j: (0, 0)),
            pl.BlockSpec((1, 1), lambda i, j: (0, 0)),
        ],
        out_shape=[
            jax.ShapeDtypeStruct((1, 1), jnp.float32),
            jax.ShapeDtypeStruct((1, 1), jnp.float32),
        ],
    )(x_dec, x_dec)

    term1 = 3.0 ** (-DIM)
    term2 = 2.0 / N * (2.0 ** (1 - DIM)) * sum1[0, 0]
    term3 = sum2[0, 0] / float(N) ** 2
    loss = jnp.sqrt(jnp.clip(term1 - term2 + term3, 1e-8))
    inv = jnp.argsort(perm)
    X = x_dec[inv].reshape(1, N, DIM)
    return (loss, X)

# --- scband reference (transcript-rebuilt; emitter-appended) ---
"""Pipeline reference for scband-mpmc-net-54803782696982 (READ-ONLY COPY).

The authoritative reference and input builder live on the scoring server;
editing this copy changes nothing except your own understanding.
"""

import jax, jax.numpy as jnp
import numpy as np

DIM = 4
NHID = 64
NLAYERS = 3
NSAMPLES = 2048
NBATCH = 1
RADIUS = 0.2
EPS = 1e-5


def _linear_init(key, fan_in, fan_out):
    b = 1.0 / np.sqrt(fan_in)
    k1, k2 = jax.random.split(key)
    W = jax.random.uniform(k1, (fan_in, fan_out), minval=-b, maxval=b, dtype=jnp.float32)
    bias = jax.random.uniform(k2, (fan_out,), minval=-b, maxval=b, dtype=jnp.float32)
    return W, bias


def setup_inputs(seed: int = 0) -> dict:
    key = jax.random.key(seed)
    keys = jax.random.split(key, 3 + 4 * NLAYERS)
    initial_points = jax.random.uniform(keys[0], (NSAMPLES * NBATCH, DIM), dtype=jnp.float32)
    enc_W, enc_b = _linear_init(keys[1], DIM, NHID)
    dec_W, dec_b = _linear_init(keys[2], NHID, DIM)
    layers = []
    for l in range(NLAYERS):
        kk = keys[3 + 4 * l:3 + 4 * (l + 1)]
        m1W, m1b = _linear_init(kk[0], 2 * NHID, NHID)
        m2W, m2b = _linear_init(kk[1], NHID, NHID)
        u1W, u1b = _linear_init(kk[2], NHID + NHID, NHID)
        u2W, u2b = _linear_init(kk[3], NHID, NHID)
        layers.append({"m1W": m1W, "m1b": m1b, "m2W": m2W, "m2b": m2b,
                       "u1W": u1W, "u1b": u1b, "u2W": u2W, "u2b": u2b})
    return {"initial_points": initial_points, "enc_W": enc_W, "enc_b": enc_b,
            "layers": layers, "dec_W": dec_W, "dec_b": dec_b}


def _radius_graph(x, r):
    # loop=True radius graph, single batch (nbatch=1). Symmetric mask, self-loops included.
    d2 = jnp.sum((x[:, None, :] - x[None, :, :]) ** 2, axis=-1)
    mask = d2 <= r * r
    n = x.shape[0]
    src, dst = jnp.nonzero(mask, size=n * n, fill_value=0)
    valid = jnp.arange(n * n) < jnp.sum(mask)
    return jnp.stack([src, dst]), valid


def _L2discrepancy(x):
    # x: [nbatch, N, dim]
    N = x.shape[1]
    dim = x.shape[2]
    term1 = 3.0 ** (-dim)
    prod1 = jnp.prod(1.0 - x ** 2.0, axis=2)
    sum1 = jnp.sum(prod1, axis=1)
    term2 = 2.0 / N * (2.0 ** (1 - dim)) * sum1
    pairwise_max = jnp.maximum(x[:, :, None, :], x[:, None, :, :])
    product = jnp.prod(1.0 - pairwise_max, axis=3)
    sum2 = jnp.sum(product, axis=(1, 2))
    term3 = sum2 / float(N) ** 2
    return jnp.sqrt(jnp.clip(term1 - term2 + term3, 1e-8))


def _mpnn_layer(h, src, dst, valid, p):
    # message: edge gather + 2-layer MLP; aggr='add' scatter to dst; update MLP; InstanceNorm (affine=False); residual
    x_j = h[src]
    x_i = h[dst]
    m = jax.nn.relu(jnp.concatenate([x_i, x_j], axis=-1) @ p["m1W"] + p["m1b"])
    m = jax.nn.relu(m @ p["m2W"] + p["m2b"])
    m = jnp.where(valid[:, None], m, 0.0)
    agg = jax.ops.segment_sum(m, dst, num_segments=h.shape[0])
    u = jax.nn.relu(jnp.concatenate([h, agg], axis=-1) @ p["u1W"] + p["u1b"])
    u = jax.nn.relu(u @ p["u2W"] + p["u2b"])
    mean = jnp.mean(u, axis=0, keepdims=True)
    var = jnp.var(u, axis=0, keepdims=True)
    normed = (u - mean) / jnp.sqrt(var + EPS)
    return normed + h


def reference(initial_points, enc_W, enc_b, layers, dec_W, dec_b):
    x = initial_points
    ei, valid = _radius_graph(x, RADIUS)
    src, dst = ei[0], ei[1]
    h = x @ enc_W + enc_b
    for p in layers:
        h = _mpnn_layer(h, src, dst, valid, p)
    x_decoded = jax.nn.sigmoid(h @ dec_W + dec_b)
    X = x_decoded.reshape(NBATCH, NSAMPLES, DIM)
    loss = jnp.mean(_L2discrepancy(X))
    return (loss, X)

if __name__ == "__main__":
    import jax
    _d = setup_inputs()
    print(jax.jit(kernel)(*tuple(_d.values())))

</pallas_src>

<mosaic_0001>
module attributes {stable_mosaic.version = 14 : i64} {
  func.func @_enc_kernel(%arg0: memref<2048x4xf32, #tpu.memory_space<vmem>>, %arg1: memref<4x64xf32, #tpu.memory_space<vmem>>, %arg2: memref<1x64xf32, #tpu.memory_space<vmem>>, %arg3: memref<2048x64xf32, #tpu.memory_space<vmem>>) attributes {dimension_semantics = [], scalar_prefetch = 0 : i64, scratch_operands = 0 : i64, tpu.core_type = #tpu.core_type<tc>} {
    %get3A = arith.constant 0 : index
    %get3A_0 = arith.constant 0 : index
    %get3A_1 = vector.load %arg0[%get3A, %get3A_0] : memref<2048x4xf32, #tpu.memory_space<vmem>>, vector<2048x4xf32>
    %get3A_2 = arith.constant 0 : index
    %get3A_3 = arith.constant 0 : index
    %get3A_4 = vector.load %arg1[%get3A_2, %get3A_3] : memref<4x64xf32, #tpu.memory_space<vmem>>, vector<4x64xf32>
    %dot_general3A = arith.constant dense<0.000000e+00> : vector<2048x64xf32>
    %dot_general3A_5 = tpu.matmul %get3A_1, %get3A_4, %dot_general3A {dimension_numbers = #tpu.dot_dimension_numbers<[1], [0], [0], [1], [0, 0, 1, 1], [], []>, transpose_lhs_hint = false} : vector<2048x4xf32>, vector<4x64xf32>, vector<2048x64xf32> -> vector<2048x64xf32>
    %get3A_6 = arith.constant 0 : index
    %get3A_7 = arith.constant 0 : index
    %get3A_8 = vector.load %arg2[%get3A_6, %get3A_7] : memref<1x64xf32, #tpu.memory_space<vmem>>, vector<1x64xf32>
    %add3A = vector.broadcast %get3A_8 : vector<1x64xf32> to vector<2048x64xf32>
    %add3A_9 = arith.addf %dot_general3A_5, %add3A : vector<2048x64xf32>
    %swap3A = arith.constant 0 : index
    %swap3A_10 = arith.constant 0 : index
    %swap3A_11 = vector.load %arg3[%swap3A, %swap3A_10] : memref<2048x64xf32, #tpu.memory_space<vmem>>, vector<2048x64xf32>
    tpu.vector_store %arg3[%swap3A, %swap3A_10], %add3A_9 {strides = array<i32>} : memref<2048x64xf32, #tpu.memory_space<vmem>>, vector<2048x64xf32>,
    return
  }
}

module attributes {stable_mosaic.version = 14 : i64} {
  func.func @_msg_kernel(%arg0: i32, %arg1: i32, %arg2: memref<16x8xi32, #tpu.memory_space<smem>>, %arg3: memref<128x4xf32, #tpu.memory_space<vmem>>, %arg4: memref<256x4xf32, #tpu.memory_space<vmem>>, %arg5: memref<128x64xf32, #tpu.memory_space<vmem>>, %arg6: memref<256x64xf32, #tpu.memory_space<vmem>>, %arg7: memref<64x64xf32, #tpu.memory_space<vmem>>, %arg8: memref<64x64xf32, #tpu.memory_space<vmem>>, %arg9: memref<1x128xf32, #tpu.memory_space<vmem>>, %arg10: memref<128x128xf32, #tpu.memory_space<vmem>>, %arg11: memref<1x128xf32, #tpu.memory_space<vmem>>, %arg12: memref<128x64xf32, #tpu.memory_space<vmem>>) attributes {dimension_semantics = [#tpu.dimension_semantics<parallel>, #tpu.dimension_semantics<arbitrary>], iteration_bounds = array<i64: 16, 8>, scalar_prefetch = 1 : i64, scratch_operands = 0 : i64, tpu.core_type = #tpu.core_type<tc>, window_params = [{transform_indices = @transform_0, window_bounds = array<i64: 128, 4>}, {transform_indices = @transform_1, window_bounds = array<i64: 256, 4>}, {transform_indices = @transform_2, window_bounds = array<i64: 128, 64>}, {transform_indices = @transform_3, window_bounds = array<i64: 256, 64>}, {pipeline_mode = #tpu.pipeline_mode<synchronous>, transform_indices = @transform_4, window_bounds = array<i64: 64, 64>}, {pipeline_mode = #tpu.pipeline_mode<synchronous>, transform_indices = @transform_5, window_bounds = array<i64: 64, 64>}, {pipeline_mode = #tpu.pipeline_mode<synchronous>, transform_indices = @transform_6, window_bounds = array<i64: 1, 128>}, {pipeline_mode = #tpu.pipeline_mode<synchronous>, transform_indices = @transform_7, window_bounds = array<i64: 128, 128>}, {pipeline_mode = #tpu.pipeline_mode<synchronous>, transform_indices = @transform_8, window_bounds = array<i64: 1, 128>}, {transform_indices = @transform_9, window_bounds = array<i64: 128, 64>}]} {
    %eq3A = arith.constant 0 : i32
    %eq3A_0 = arith.cmpi eq, %arg1, %eq3A : i32
    %convert_element_type3A = arith.extui %eq3A_0 : i1 to i32
    %cond3A = arith.constant 0 : i32
    %cond3A_1 = arith.cmpi ne, %convert_element_type3A, %cond3A : i32
    scf.if %cond3A_1 {
      %broadcast_in_dim3A = arith.constant 0.000000e+00 : f32
      %broadcast_in_dim3A_8 = vector.broadcast %broadcast_in_dim3A : f32 to vector<128x64xf32>
      %swap3A = arith.constant 0 : index
      %swap3A_9 = arith.constant 0 : index
      %swap3A_10 = vector.load %arg12[%swap3A, %swap3A_9] : memref<128x64xf32, #tpu.memory_space<vmem>>, vector<128x64xf32>
      tpu.vector_store %arg12[%swap3A, %swap3A_9], %broadcast_in_dim3A_8 {strides = array<i32>} : memref<128x64xf32, #tpu.memory_space<vmem>>, vector<128x64xf32>,
    } else {
    }
    %get3A = arith.index_cast %arg0 : i32 to index
    %get3A_2 = arith.index_cast %arg1 : i32 to index
    %get3A_3 = memref.load %arg2[%get3A, %get3A_2] : memref<16x8xi32, #tpu.memory_space<smem>>
    %ne3A = arith.constant 0 : i32
    %ne3A_4 = arith.cmpi ne, %get3A_3, %ne3A : i32
    %convert_element_type3A_5 = arith.extui %ne3A_4 : i1 to i32
    %cond3A_6 = arith.constant 0 : i32
    %cond3A_7 = arith.cmpi ne, %convert_element_type3A_5, %cond3A_6 : i32
    scf.if %cond3A_7 {
      %get3A_8 = arith.constant 0 : index
      %get3A_9 = arith.constant 0 : index
      %get3A_10 = vector.load %arg5[%get3A_8, %get3A_9] : memref<128x64xf32, #tpu.memory_space<vmem>>, vector<128x64xf32>
      %get3A_11 = arith.constant 0 : index
      %get3A_12 = arith.constant 0 : index
      %get3A_13 = vector.load %arg7[%get3A_11, %get3A_12] : memref<64x64xf32, #tpu.memory_space<vmem>>, vector<64x64xf32>
      %dot_general3A = arith.constant dense<0.000000e+00> : vector<128x64xf32>
      %dot_general3A_14 = tpu.matmul %get3A_10, %get3A_13, %dot_general3A {dimension_numbers = #tpu.dot_dimension_numbers<[1], [0], [0], [1], [0, 0, 1, 1], [], []>, transpose_lhs_hint = false} : vector<128x64xf32>, vector<64x64xf32>, vector<128x64xf32> -> vector<128x64xf32>
      %get3A_15 = arith.constant 0 : index
      %get3A_16 = arith.constant 0 : index
      %get3A_17 = vector.load %arg6[%get3A_15, %get3A_16] : memref<256x64xf32, #tpu.memory_space<vmem>>, vector<256x64xf32>
      %get3A_18 = arith.constant 0 : index
      %get3A_19 = arith.constant 0 : index
      %get3A_20 = vector.load %arg8[%get3A_18, %get3A_19] : memref<64x64xf32, #tpu.memory_space<vmem>>, vector<64x64xf32>
      %dot_general3A_21 = arith.constant dense<0.000000e+00> : vector<256x64xf32>
      %dot_general3A_22 = tpu.matmul %get3A_17, %get3A_20, %dot_general3A_21 {dimension_numbers = #tpu.dot_dimension_numbers<[1], [0], [0], [1], [0, 0, 1, 1], [], []>, transpose_lhs_hint = false} : vector<256x64xf32>, vector<64x64xf32>, vector<256x64xf32> -> vector<256x64xf32>
      %concatenate3A = tpu.concatenate %dot_general3A_14, %dot_general3A_14 in 1 : vector<128x64xf32>, vector<128x64xf32> -> vector<128x128xf32>
      %slice3A = vector.extract_strided_slice %dot_general3A_22 {offsets = [0, 0], sizes = [128, 64], strides = [1, 1]} : vector<256x64xf32> to vector<128x64xf32>
      %slice3A_23 = vector.extract_strided_slice %dot_general3A_22 {offsets = [128, 0], sizes = [128, 64], strides = [1, 1]} : vector<256x64xf32> to vector<128x64xf32>
      %concatenate3A_24 = tpu.concatenate %slice3A, %slice3A_23 in 1 : vector<128x64xf32>, vector<128x64xf32> -> vector<128x128xf32>
      %broadcast_in_dim3A = vector.shape_cast %concatenate3A : vector<128x128xf32> to vector<128x1x128xf32>
      %broadcast_in_dim3A_25 = vector.shape_cast %concatenate3A_24 : vector<128x128xf32> to vector<1x128x128xf32>
      %add3A = vector.broadcast %broadcast_in_dim3A : vector<128x1x128xf32> to vector<128x128x128xf32>
      %add3A_26 = vector.broadcast %broadcast_in_dim3A_25 : vector<1x128x128xf32> to vector<128x128x128xf32>
      %add3A_27 = arith.addf %add3A, %add3A_26 : vector<128x128x128xf32>
      %get3A_28 = arith.constant 0 : index
      %get3A_29 = arith.constant 0 : index
      %get3A_30 = vector.load %arg9[%get3A_28, %get3A_29] : memref<1x128xf32, #tpu.memory_space<vmem>>, vector<1x128xf32>
      %broadcast_in_dim3A_31 = vector.shape_cast %get3A_30 : vector<1x128xf32> to vector<1x1x128xf32>
      %add3A_32 = vector.broadcast %broadcast_in_dim3A_31 : vector<1x1x128xf32> to vector<128x128x128xf32>
      %add3A_33 = arith.addf %add3A_27, %add3A_32 : vector<128x128x128xf32>
      %max3A = arith.constant 0.000000e+00 : f32
      %max3A_34 = vector.broadcast %max3A : f32 to vector<128x128x128xf32>
      %max3A_35 = arith.maximumf %add3A_33, %max3A_34 : vector<128x128x128xf32>
      %reshape3A = vector.shape_cast %max3A_35 : vector<128x128x128xf32> to vector<16384x128xf32>
      %get3A_36 = arith.constant 0 : index
      %get3A_37 = arith.constant 0 : index
      %get3A_38 = vector.load %arg10[%get3A_36, %get3A_37] : memref<128x128xf32, #tpu.memory_space<vmem>>, vector<128x128xf32>
      %dot_general3A_39 = arith.constant dense<0.000000e+00> : vector<16384x128xf32>
      %dot_general3A_40 = tpu.matmul %reshape3A, %get3A_38, %dot_general3A_39 {dimension_numbers = #tpu.dot_dimension_numbers<[1], [0], [0], [1], [0, 0, 1, 1], [], []>, transpose_lhs_hint = false} : vector<16384x128xf32>, vector<128x128xf32>, vector<16384x128xf32> -> vector<16384x128xf32>
      %get3A_41 = arith.constant 0 : index
      %get3A_42 = arith.constant 0 : index
      %get3A_43 = vector.load %arg11[%get3A_41, %get3A_42] : memref<1x128xf32, #tpu.memory_space<vmem>>, vector<1x128xf32>
      %add3A_44 = vector.broadcast %get3A_43 : vector<1x128xf32> to vector<16384x128xf32>
      %add3A_45 = arith.addf %dot_general3A_40, %add3A_44 : vector<16384x128xf32>
      %max3A_46 = arith.constant 0.000000e+00 : f32
      %max3A_47 = vector.broadcast %max3A_46 : f32 to vector<16384x128xf32>
      %max3A_48 = arith.maximumf %add3A_45, %max3A_47 : vector<16384x128xf32>
      %reshape3A_49 = vector.shape_cast %max3A_48 : vector<16384x128xf32> to vector<128x128x128xf32>
      %get3A_50 = arith.constant 0 : index
      %get3A_51 = arith.constant 0 : index
      %get3A_52 = vector.load %arg3[%get3A_50, %get3A_51] : memref<128x4xf32, #tpu.memory_space<vmem>>, vector<128x4xf32>
      %get3A_53 = arith.constant 0 : index
      %get3A_54 = arith.constant 0 : index
      %get3A_55 = vector.load %arg4[%get3A_53, %get3A_54] : memref<256x4xf32, #tpu.memory_space<vmem>>, vector<256x4xf32>
      %transpose3A = tpu.transpose %get3A_55, [1, 0] : vector<256x4xf32> -> vector<4x256xf32>
      %broadcast_in_dim3A_56 = arith.constant 0.000000e+00 : f32
      %broadcast_in_dim3A_57 = vector.broadcast %broadcast_in_dim3A_56 : f32 to vector<128x256xf32>
      %slice3A_58 = vector.extract_strided_slice %get3A_52 {offsets = [0, 0], sizes = [128, 1], strides = [1, 1]} : vector<128x4xf32> to vector<128x1xf32>
      %slice3A_59 = vector.extract_strided_slice %transpose3A {offsets = [0, 0], sizes = [1, 256], strides = [1, 1]} : vector<4x256xf32> to vector<1x256xf32>
      %sub3A = vector.broadcast %slice3A_58 : vector<128x1xf32> to vector<128x256xf32>
      %sub3A_60 = vector.broadcast %slice3A_59 : vector<1x256xf32> to vector<128x256xf32>
      %sub3A_61 = arith.subf %sub3A, %sub3A_60 : vector<128x256xf32>
      %mul3A = arith.mulf %sub3A_61, %sub3A_61 : vector<128x256xf32>
      %add3A_62 = arith.addf %broadcast_in_dim3A_57, %mul3A : vector<128x256xf32>
      %slice3A_63 = vector.extract_strided_slice %get3A_52 {offsets = [0, 1], sizes = [128, 1], strides = [1, 1]} : vector<128x4xf32> to vector<128x1xf32>
      %slice3A_64 = vector.extract_strided_slice %transpose3A {offsets = [1, 0], sizes = [1, 256], strides = [1, 1]} : vector<4x256xf32> to vector<1x256xf32>
      %sub3A_65 = vector.broadcast %slice3A_63 : vector<128x1xf32> to vector<128x256xf32>
      %sub3A_66 = vector.broadcast %slice3A_64 : vector<1x256xf32> to vector<128x256xf32>
      %sub3A_67 = arith.subf %sub3A_65, %sub3A_66 : vector<128x256xf32>
      %mul3A_68 = arith.mulf %sub3A_67, %sub3A_67 : vector<128x256xf32>
      %add3A_69 = arith.addf %add3A_62, %mul3A_68 : vector<128x256xf32>
      %slice3A_70 = vector.extract_strided_slice %get3A_52 {offsets = [0, 2], sizes = [128, 1], strides = [1, 1]} : vector<128x4xf32> to vector<128x1xf32>
      %slice3A_71 = vector.extract_strided_slice %transpose3A {offsets = [2, 0], sizes = [1, 256], strides = [1, 1]} : vector<4x256xf32> to vector<1x256xf32>
      %sub3A_72 = vector.broadcast %slice3A_70 : vector<128x1xf32> to vector<128x256xf32>
      %sub3A_73 = vector.broadcast %slice3A_71 : vector<1x256xf32> to vector<128x256xf32>
      %sub3A_74 = arith.subf %sub3A_72, %sub3A_73 : vector<128x256xf32>
      %mul3A_75 = arith.mulf %sub3A_74, %sub3A_74 : vector<128x256xf32>
      %add3A_76 = arith.addf %add3A_69, %mul3A_75 : vector<128x256xf32>
      %slice3A_77 = vector.extract_strided_slice %get3A_52 {offsets = [0, 3], sizes = [128, 1], strides = [1, 1]} : vector<128x4xf32> to vector<128x1xf32>
      %slice3A_78 = vector.extract_strided_slice %transpose3A {offsets = [3, 0], sizes = [1, 256], strides = [1, 1]} : vector<4x256xf32> to vector<1x256xf32>
      %sub3A_79 = vector.broadcast %slice3A_77 : vector<128x1xf32> to vector<128x256xf32>
      %sub3A_80 = vector.broadcast %slice3A_78 : vector<1x256xf32> to vector<128x256xf32>
      %sub3A_81 = arith.subf %sub3A_79, %sub3A_80 : vector<128x256xf32>
      %mul3A_82 = arith.mulf %sub3A_81, %sub3A_81 : vector<128x256xf32>
      %add3A_83 = arith.addf %add3A_76, %mul3A_82 : vector<128x256xf32>
      %le3A = arith.constant 4.000000e-02 : f32
      %le3A_84 = vector.broadcast %le3A : f32 to vector<128x256xf32>
      %le3A_85 = arith.cmpf ole, %add3A_83, %le3A_84 : vector<128x256xf32>
      %convert_element_type3A_86 = arith.extui %le3A_85 : vector<128x256xi1> to vector<128x256xi32>
      %convert_element_type3A_87 = arith.sitofp %convert_element_type3A_86 : vector<128x256xi32> to vector<128x256xf32>
      %slice3A_88 = vector.extract_strided_slice %convert_element_type3A_87 {offsets = [0, 0], sizes = [128, 128], strides = [1, 1]} : vector<128x256xf32> to vector<128x128xf32>
      %broadcast_in_dim3A_89 = vector.shape_cast %slice3A_88 : vector<128x128xf32> to vector<128x128x1xf32>
      %mul3A_90 = vector.broadcast %broadcast_in_dim3A_89 : vector<128x128x1xf32> to vector<128x128x128xf32>
      %mul3A_91 = arith.mulf %reshape3A_49, %mul3A_90 : vector<128x128x128xf32>
      %reduce_sum3A = arith.constant dense<0.000000e+00> : vector<128x128xf32>
      %reduce_sum3A_92 = vector.multi_reduction <add>, %mul3A_91, %reduce_sum3A [1] : vector<128x128x128xf32> to vector<128x128xf32>
      %slice3A_93 = vector.extract_strided_slice %convert_element_type3A_87 {offsets = [0, 128], sizes = [128, 128], strides = [1, 1]} : vector<128x256xf32> to vector<128x128xf32>
      %broadcast_in_dim3A_94 = vector.shape_cast %slice3A_93 : vector<128x128xf32> to vector<128x128x1xf32>
      %mul3A_95 = vector.broadcast %broadcast_in_dim3A_94 : vector<128x128x1xf32> to vector<128x128x128xf32>
      %mul3A_96 = arith.mulf %reshape3A_49, %mul3A_95 : vector<128x128x128xf32>
      %reduce_sum3A_97 = arith.constant dense<0.000000e+00> : vector<128x128xf32>
      %reduce_sum3A_98 = vector.multi_reduction <add>, %mul3A_96, %reduce_sum3A_97 [1] : vector<128x128x128xf32> to vector<128x128xf32>
      %get3A_99 = arith.constant 0 : index
      %get3A_100 = arith.constant 0 : index
      %get3A_101 = vector.load %arg12[%get3A_99, %get3A_100] : memref<128x64xf32, #tpu.memory_space<vmem>>, vector<128x64xf32>
      %slice3A_102 = vector.extract_strided_slice %reduce_sum3A_92 {offsets = [0, 0], sizes = [128, 64], strides = [1, 1]} : vector<128x128xf32> to vector<128x64xf32>
      %slice3A_103 = vector.extract_strided_slice %reduce_sum3A_98 {offsets = [0, 64], sizes = [128, 64], strides = [1, 1]} : vector<128x128xf32> to vector<128x64xf32>
      %add3A_104 = arith.addf %slice3A_102, %slice3A_103 : vector<128x64xf32>
      %add3A_105 = arith.addf %get3A_101, %add3A_104 : vector<128x64xf32>
      %swap3A = arith.constant 0 : index
      %swap3A_106 = arith.constant 0 : index
      %swap3A_107 = vector.load %arg12[%swap3A, %swap3A_106] : memref<128x64xf32, #tpu.memory_space<vmem>>, vector<128x64xf32>
      tpu.vector_store %arg12[%swap3A, %swap3A_106], %add3A_105 {strides = array<i32>} : memref<128x64xf32, #tpu.memory_space<vmem>>, vector<128x64xf32>,
    } else {
    }
    return
  }
  func.func @transform_0(%arg0: i32, %arg1: i32, %arg2: memref<16x8xi32, #tpu.memory_space<smem>>) -> (i32, i32) {
    %c0_i32 = arith.constant 0 : i32
    %c0_i32_0 = arith.constant 0 : i32
    return %arg0, %c0_i32 : i32, i32
  }
  func.func @transform_1(%arg0: i32, %arg1: i32, %arg2: memref<16x8xi32, #tpu.memory_space<smem>>) -> (i32, i32) {
    %c0_i32 = arith.constant 0 : i32
    %c0_i32_0 = arith.constant 0 : i32
    return %arg1, %c0_i32 : i32, i32
  }
  func.func @transform_2(%arg0: i32, %arg1: i32, %arg2: memref<16x8xi32, #tpu.memory_space<smem>>) -> (i32, i32) {
    %c0_i32 = arith.constant 0 : i32
    %c0_i32_0 = arith.constant 0 : i32
    return %arg0, %c0_i32 : i32, i32
  }
  func.func @transform_3(%arg0: i32, %arg1: i32, %arg2: memref<16x8xi32, #tpu.memory_space<smem>>) -> (i32, i32) {
    %c0_i32 = arith.constant 0 : i32
    %c0_i32_0 = arith.constant 0 : i32
    return %arg1, %c0_i32 : i32, i32
  }
  func.func @transform_4(%arg0: i32, %arg1: i32, %arg2: memref<16x8xi32, #tpu.memory_space<smem>>) -> (i32, i32) {
    %c0_i32 = arith.constant 0 : i32
    %c0_i32_0 = arith.constant 0 : i32
    %c0_i32_1 = arith.constant 0 : i32
    return %c0_i32, %c0_i32_0 : i32, i32
  }
  func.func @transform_5(%arg0: i32, %arg1: i32, %arg2: memref<16x8xi32, #tpu.memory_space<smem>>) -> (i32, i32) {
    %c0_i32 = arith.constant 0 : i32
    %c0_i32_0 = arith.constant 0 : i32
    %c0_i32_1 = arith.constant 0 : i32
    return %c0_i32, %c0_i32_0 : i32, i32
  }
  func.func @transform_6(%arg0: i32, %arg1: i32, %arg2: memref<16x8xi32, #tpu.memory_space<smem>>) -> (i32, i32) {
    %c0_i32 = arith.constant 0 : i32
    %c0_i32_0 = arith.constant 0 : i32
    %c0_i32_1 = arith.constant 0 : i32
    return %c0_i32, %c0_i32_0 : i32, i32
  }
  func.func @transform_7(%arg0: i32, %arg1: i32, %arg2: memref<16x8xi32, #tpu.memory_space<smem>>) -> (i32, i32) {
    %c0_i32 = arith.constant 0 : i32
    %c0_i32_0 = arith.constant 0 : i32
    %c0_i32_1 = arith.constant 0 : i32
    return %c0_i32, %c0_i32_0 : i32, i32
  }
  func.func @transform_8(%arg0: i32, %arg1: i32, %arg2: memref<16x8xi32, #tpu.memory_space<smem>>) -> (i32, i32) {
    %c0_i32 = arith.constant 0 : i32
    %c0_i32_0 = arith.constant 0 : i32
    %c0_i32_1 = arith.constant 0 : i32
    return %c0_i32, %c0_i32_0 : i32, i32
  }
  func.func @transform_9(%arg0: i32, %arg1: i32, %arg2: memref<16x8xi32, #tpu.memory_space<smem>>) -> (i32, i32) {
    %c0_i32 = arith.constant 0 : i32
    %c0_i32_0 = arith.constant 0 : i32
    return %arg0, %c0_i32 : i32, i32
  }
}

module attributes {stable_mosaic.version = 14 : i64} {
  func.func @_upd_kernel(%arg0: memref<2048x64xf32, #tpu.memory_space<vmem>>, %arg1: memref<2048x64xf32, #tpu.memory_space<vmem>>, %arg2: memref<64x64xf32, #tpu.memory_space<vmem>>, %arg3: memref<64x64xf32, #tpu.memory_space<vmem>>, %arg4: memref<1x64xf32, #tpu.memory_space<vmem>>, %arg5: memref<64x64xf32, #tpu.memory_space<vmem>>, %arg6: memref<1x64xf32, #tpu.memory_space<vmem>>, %arg7: memref<2048x64xf32, #tpu.memory_space<vmem>>) attributes {dimension_semantics = [], scalar_prefetch = 0 : i64, scratch_operands = 0 : i64, tpu.core_type = #tpu.core_type<tc>} {
    %get3A = arith.constant 0 : index
    %get3A_0 = arith.constant 0 : index
    %get3A_1 = vector.load %arg0[%get3A, %get3A_0] : memref<2048x64xf32, #tpu.memory_space<vmem>>, vector<2048x64xf32>
    %get3A_2 = arith.constant 0 : index
    %get3A_3 = arith.constant 0 : index
    %get3A_4 = vector.load %arg2[%get3A_2, %get3A_3] : memref<64x64xf32, #tpu.memory_space<vmem>>, vector<64x64xf32>
    %dot_general3A = arith.constant dense<0.000000e+00> : vector<2048x64xf32>
    %dot_general3A_5 = tpu.matmul %get3A_1, %get3A_4, %dot_general3A {dimension_numbers = #tpu.dot_dimension_numbers<[1], [0], [0], [1], [0, 0, 1, 1], [], []>, transpose_lhs_hint = false} : vector<2048x64xf32>, vector<64x64xf32>, vector<2048x64xf32> -> vector<2048x64xf32>
    %get3A_6 = arith.constant 0 : index
    %get3A_7 = arith.constant 0 : index
    %get3A_8 = vector.load %arg1[%get3A_6, %get3A_7] : memref<2048x64xf32, #tpu.memory_space<vmem>>, vector<2048x64xf32>
    %get3A_9 = arith.constant 0 : index
    %get3A_10 = arith.constant 0 : index
    %get3A_11 = vector.load %arg3[%get3A_9, %get3A_10] : memref<64x64xf32, #tpu.memory_space<vmem>>, vector<64x64xf32>
    %dot_general3A_12 = arith.constant dense<0.000000e+00> : vector<2048x64xf32>
    %dot_general3A_13 = tpu.matmul %get3A_8, %get3A_11, %dot_general3A_12 {dimension_numbers = #tpu.dot_dimension_numbers<[1], [0], [0], [1], [0, 0, 1, 1], [], []>, transpose_lhs_hint = false} : vector<2048x64xf32>, vector<64x64xf32>, vector<2048x64xf32> -> vector<2048x64xf32>
    %add3A = arith.addf %dot_general3A_5, %dot_general3A_13 : vector<2048x64xf32>
    %get3A_14 = arith.constant 0 : index
    %get3A_15 = arith.constant 0 : index
    %get3A_16 = vector.load %arg4[%get3A_14, %get3A_15] : memref<1x64xf32, #tpu.memory_space<vmem>>, vector<1x64xf32>
    %add3A_17 = vector.broadcast %get3A_16 : vector<1x64xf32> to vector<2048x64xf32>
    %add3A_18 = arith.addf %add3A, %add3A_17 : vector<2048x64xf32>
    %max3A = arith.constant 0.000000e+00 : f32
    %max3A_19 = vector.broadcast %max3A : f32 to vector<2048x64xf32>
    %max3A_20 = arith.maximumf %add3A_18, %max3A_19 : vector<2048x64xf32>
    %get3A_21 = arith.constant 0 : index
    %get3A_22 = arith.constant 0 : index
    %get3A_23 = vector.load %arg5[%get3A_21, %get3A_22] : memref<64x64xf32, #tpu.memory_space<vmem>>, vector<64x64xf32>
    %dot_general3A_24 = arith.constant dense<0.000000e+00> : vector<2048x64xf32>
    %dot_general3A_25 = tpu.matmul %max3A_20, %get3A_23, %dot_general3A_24 {dimension_numbers = #tpu.dot_dimension_numbers<[1], [0], [0], [1], [0, 0, 1, 1], [], []>, transpose_lhs_hint = false} : vector<2048x64xf32>, vector<64x64xf32>, vector<2048x64xf32> -> vector<2048x64xf32>
    %get3A_26 = arith.constant 0 : index
    %get3A_27 = arith.constant 0 : index
    %get3A_28 = vector.load %arg6[%get3A_26, %get3A_27] : memref<1x64xf32, #tpu.memory_space<vmem>>, vector<1x64xf32>
    %add3A_29 = vector.broadcast %get3A_28 : vector<1x64xf32> to vector<2048x64xf32>
    %add3A_30 = arith.addf %dot_general3A_25, %add3A_29 : vector<2048x64xf32>
    %max3A_31 = arith.constant 0.000000e+00 : f32
    %max3A_32 = vector.broadcast %max3A_31 : f32 to vector<2048x64xf32>
    %max3A_33 = arith.maximumf %add3A_30, %max3A_32 : vector<2048x64xf32>
    %reduce_sum3A = arith.constant dense<0.000000e+00> : vector<64xf32>
    %reduce_sum3A_34 = vector.multi_reduction <add>, %max3A_33, %reduce_sum3A [0] : vector<2048x64xf32> to vector<64xf32>
    %broadcast_in_dim3A = vector.shape_cast %reduce_sum3A_34 : vector<64xf32> to vector<1x64xf32>
    %div3A = arith.constant 2.048000e+03 : f32
    %div3A_35 = vector.broadcast %div3A : f32 to vector<1x64xf32>
    %div3A_36 = arith.divf %broadcast_in_dim3A, %div3A_35 : vector<1x64xf32>
    %sub3A = vector.broadcast %div3A_36 : vector<1x64xf32> to vector<2048x64xf32>
    %sub3A_37 = arith.subf %max3A_33, %sub3A : vector<2048x64xf32>
    %mul3A = arith.mulf %sub3A_37, %sub3A_37 : vector<2048x64xf32>
    %reduce_sum3A_38 = arith.constant dense<0.000000e+00> : vector<64xf32>
    %reduce_sum3A_39 = vector.multi_reduction <add>, %mul3A, %reduce_sum3A_38 [0] : vector<2048x64xf32> to vector<64xf32>
    %broadcast_in_dim3A_40 = vector.shape_cast %reduce_sum3A_39 : vector<64xf32> to vector<1x64xf32>
    %div3A_41 = arith.constant 2.048000e+03 : f32
    %div3A_42 = vector.broadcast %div3A_41 : f32 to vector<1x64xf32>
    %div3A_43 = arith.divf %broadcast_in_dim3A_40, %div3A_42 : vector<1x64xf32>
    %add3A_44 = arith.constant 9.99999974E-6 : f32
    %add3A_45 = vector.broadcast %add3A_44 : f32 to vector<1x64xf32>
    %add3A_46 = arith.addf %div3A_43, %add3A_45 : vector<1x64xf32>
    %sqrt3A = math.sqrt %add3A_46 : vector<1x64xf32>
    %div3A_47 = vector.broadcast %sqrt3A : vector<1x64xf32> to vector<2048x64xf32>
    %div3A_48 = arith.divf %sub3A_37, %div3A_47 : vector<2048x64xf32>
    %add3A_49 = arith.addf %div3A_48, %get3A_1 : vector<2048x64xf32>
    %swap3A = arith.constant 0 : index
    %swap3A_50 = arith.constant 0 : index
    %swap3A_51 = vector.load %arg7[%swap3A, %swap3A_50] : memref<2048x64xf32, #tpu.memory_space<vmem>>, vector<2048x64xf32>
    tpu.vector_store %arg7[%swap3A, %swap3A_50], %add3A_49 {strides = array<i32>} : memref<2048x64xf32, #tpu.memory_space<vmem>>, vector<2048x64xf32>,
    return
  }
}

module attributes {stable_mosaic.version = 14 : i64} {
  func.func @_dec_kernel(%arg0: memref<2048x64xf32, #tpu.memory_space<vmem>>, %arg1: memref<64x4xf32, #tpu.memory_space<vmem>>, %arg2: memref<1x4xf32, #tpu.memory_space<vmem>>, %arg3: memref<2048x4xf32, #tpu.memory_space<vmem>>) attributes {dimension_semantics = [], scalar_prefetch = 0 : i64, scratch_operands = 0 : i64, tpu.core_type = #tpu.core_type<tc>} {
    %get3A = arith.constant 0 : index
    %get3A_0 = arith.constant 0 : index
    %get3A_1 = vector.load %arg0[%get3A, %get3A_0] : memref<2048x64xf32, #tpu.memory_space<vmem>>, vector<2048x64xf32>
    %get3A_2 = arith.constant 0 : index
    %get3A_3 = arith.constant 0 : index
    %get3A_4 = vector.load %arg1[%get3A_2, %get3A_3] : memref<64x4xf32, #tpu.memory_space<vmem>>, vector<64x4xf32>
    %dot_general3A = arith.constant dense<0.000000e+00> : vector<2048x4xf32>
    %dot_general3A_5 = tpu.matmul %get3A_1, %get3A_4, %dot_general3A {dimension_numbers = #tpu.dot_dimension_numbers<[1], [0], [0], [1], [0, 0, 1, 1], [], []>, transpose_lhs_hint = false} : vector<2048x64xf32>, vector<64x4xf32>, vector<2048x4xf32> -> vector<2048x4xf32>
    %get3A_6 = arith.constant 0 : index
    %get3A_7 = arith.constant 0 : index
    %get3A_8 = vector.load %arg2[%get3A_6, %get3A_7] : memref<1x4xf32, #tpu.memory_space<vmem>>, vector<1x4xf32>
    %add3A = vector.broadcast %get3A_8 : vector<1x4xf32> to vector<2048x4xf32>
    %add3A_9 = arith.addf %dot_general3A_5, %add3A : vector<2048x4xf32>
    %logistic3A = arith.negf %add3A_9 : vector<2048x4xf32>
    %logistic3A_10 = math.exp %logistic3A : vector<2048x4xf32>
    %logistic3A_11 = arith.constant 1.000000e+00 : f32
    %logistic3A_12 = vector.broadcast %logistic3A_11 : f32 to vector<2048x4xf32>
    %logistic3A_13 = arith.addf %logistic3A_12, %logistic3A_10 : vector<2048x4xf32>
    %logistic3A_14 = arith.divf %logistic3A_12, %logistic3A_13 : vector<2048x4xf32>
    %swap3A = arith.constant 0 : index
    %swap3A_15 = arith.constant 0 : index
    %swap3A_16 = vector.load %arg3[%swap3A, %swap3A_15] : memref<2048x4xf32, #tpu.memory_space<vmem>>, vector<2048x4xf32>
    tpu.vector_store %arg3[%swap3A, %swap3A_15], %logistic3A_14 {strides = array<i32>} : memref<2048x4xf32, #tpu.memory_space<vmem>>, vector<2048x4xf32>,
    return
  }
}

module attributes {stable_mosaic.version = 14 : i64} {
  func.func @_disc_kernel(%arg0: i32, %arg1: i32, %arg2: memref<128x4xf32, #tpu.memory_space<vmem>>, %arg3: memref<128x4xf32, #tpu.memory_space<vmem>>, %arg4: memref<1x1xf32, #tpu.memory_space<vmem>>, %arg5: memref<1x1xf32, #tpu.memory_space<vmem>>) attributes {dimension_semantics = [#tpu.dimension_semantics<arbitrary>, #tpu.dimension_semantics<arbitrary>], iteration_bounds = array<i64: 16, 16>, scalar_prefetch = 0 : i64, scratch_operands = 0 : i64, tpu.core_type = #tpu.core_type<tc>, window_params = [{transform_indices = @transform_0, window_bounds = array<i64: 128, 4>}, {transform_indices = @transform_1, window_bounds = array<i64: 128, 4>}, {pipeline_mode = #tpu.pipeline_mode<synchronous>, transform_indices = @transform_2, window_bounds = array<i64: 1, 1>}, {pipeline_mode = #tpu.pipeline_mode<synchronous>, transform_indices = @transform_3, window_bounds = array<i64: 1, 1>}]} {
    %get3A = arith.constant 0 : index
    %get3A_0 = arith.constant 0 : index
    %get3A_1 = vector.load %arg2[%get3A, %get3A_0] : memref<128x4xf32, #tpu.memory_space<vmem>>, vector<128x4xf32>
    %get3A_2 = arith.constant 0 : index
    %get3A_3 = arith.constant 0 : index
    %get3A_4 = vector.load %arg3[%get3A_2, %get3A_3] : memref<128x4xf32, #tpu.memory_space<vmem>>, vector<128x4xf32>
    %transpose3A = tpu.transpose %get3A_4, [1, 0] : vector<128x4xf32> -> vector<4x128xf32>
    %broadcast_in_dim3A = arith.constant 1.000000e+00 : f32
    %broadcast_in_dim3A_5 = vector.broadcast %broadcast_in_dim3A : f32 to vector<128x128xf32>
    %slice3A = vector.extract_strided_slice %get3A_1 {offsets = [0, 0], sizes = [128, 1], strides = [1, 1]} : vector<128x4xf32> to vector<128x1xf32>
    %slice3A_6 = vector.extract_strided_slice %transpose3A {offsets = [0, 0], sizes = [1, 128], strides = [1, 1]} : vector<4x128xf32> to vector<1x128xf32>
    %max3A = vector.broadcast %slice3A : vector<128x1xf32> to vector<128x128xf32>
    %max3A_7 = vector.broadcast %slice3A_6 : vector<1x128xf32> to vector<128x128xf32>
    %max3A_8 = arith.maximumf %max3A, %max3A_7 : vector<128x128xf32>
    %sub3A = arith.constant 1.000000e+00 : f32
    %sub3A_9 = vector.broadcast %sub3A : f32 to vector<128x128xf32>
    %sub3A_10 = arith.subf %sub3A_9, %max3A_8 : vector<128x128xf32>
    %mul3A = arith.mulf %broadcast_in_dim3A_5, %sub3A_10 : vector<128x128xf32>
    %slice3A_11 = vector.extract_strided_slice %get3A_1 {offsets = [0, 1], sizes = [128, 1], strides = [1, 1]} : vector<128x4xf32> to vector<128x1xf32>
    %slice3A_12 = vector.extract_strided_slice %transpose3A {offsets = [1, 0], sizes = [1, 128], strides = [1, 1]} : vector<4x128xf32> to vector<1x128xf32>
    %max3A_13 = vector.broadcast %slice3A_11 : vector<128x1xf32> to vector<128x128xf32>
    %max3A_14 = vector.broadcast %slice3A_12 : vector<1x128xf32> to vector<128x128xf32>
    %max3A_15 = arith.maximumf %max3A_13, %max3A_14 : vector<128x128xf32>
    %sub3A_16 = arith.constant 1.000000e+00 : f32
    %sub3A_17 = vector.broadcast %sub3A_16 : f32 to vector<128x128xf32>
    %sub3A_18 = arith.subf %sub3A_17, %max3A_15 : vector<128x128xf32>
    %mul3A_19 = arith.mulf %mul3A, %sub3A_18 : vector<128x128xf32>
    %slice3A_20 = vector.extract_strided_slice %get3A_1 {offsets = [0, 2], sizes = [128, 1], strides = [1, 1]} : vector<128x4xf32> to vector<128x1xf32>
    %slice3A_21 = vector.extract_strided_slice %transpose3A {offsets = [2, 0], sizes = [1, 128], strides = [1, 1]} : vector<4x128xf32> to vector<1x128xf32>
    %max3A_22 = vector.broadcast %slice3A_20 : vector<128x1xf32> to vector<128x128xf32>
    %max3A_23 = vector.broadcast %slice3A_21 : vector<1x128xf32> to vector<128x128xf32>
    %max3A_24 = arith.maximumf %max3A_22, %max3A_23 : vector<128x128xf32>
    %sub3A_25 = arith.constant 1.000000e+00 : f32
    %sub3A_26 = vector.broadcast %sub3A_25 : f32 to vector<128x128xf32>
    %sub3A_27 = arith.subf %sub3A_26, %max3A_24 : vector<128x128xf32>
    %mul3A_28 = arith.mulf %mul3A_19, %sub3A_27 : vector<128x128xf32>
    %slice3A_29 = vector.extract_strided_slice %get3A_1 {offsets = [0, 3], sizes = [128, 1], strides = [1, 1]} : vector<128x4xf32> to vector<128x1xf32>
    %slice3A_30 = vector.extract_strided_slice %transpose3A {offsets = [3, 0], sizes = [1, 128], strides = [1, 1]} : vector<4x128xf32> to vector<1x128xf32>
    %max3A_31 = vector.broadcast %slice3A_29 : vector<128x1xf32> to vector<128x128xf32>
    %max3A_32 = vector.broadcast %slice3A_30 : vector<1x128xf32> to vector<128x128xf32>
    %max3A_33 = arith.maximumf %max3A_31, %max3A_32 : vector<128x128xf32>
    %sub3A_34 = arith.constant 1.000000e+00 : f32
    %sub3A_35 = vector.broadcast %sub3A_34 : f32 to vector<128x128xf32>
    %sub3A_36 = arith.subf %sub3A_35, %max3A_33 : vector<128x128xf32>
    %mul3A_37 = arith.mulf %mul3A_28, %sub3A_36 : vector<128x128xf32>
    %reduce_sum3A = arith.constant dense<0.000000e+00> : vector<128xf32>
    %reduce_sum3A_38 = vector.multi_reduction <add>, %mul3A_37, %reduce_sum3A [1] : vector<128x128xf32> to vector<128xf32>
    %broadcast_in_dim3A_39 = vector.shape_cast %reduce_sum3A_38 : vector<128xf32> to vector<128x1xf32>
    %reduce_sum3A_40 = arith.constant dense<0.000000e+00> : vector<1xf32>
    %reduce_sum3A_41 = vector.multi_reduction <add>, %broadcast_in_dim3A_39, %reduce_sum3A_40 [0] : vector<128x1xf32> to vector<1xf32>
    %broadcast_in_dim3A_42 = vector.shape_cast %reduce_sum3A_41 : vector<1xf32> to vector<1x1xf32>
    %broadcast_in_dim3A_43 = arith.constant 1.000000e+00 : f32
    %broadcast_in_dim3A_44 = vector.broadcast %broadcast_in_dim3A_43 : f32 to vector<128x1xf32>
    %slice3A_45 = vector.extract_strided_slice %get3A_1 {offsets = [0, 0], sizes = [128, 1], strides = [1, 1]} : vector<128x4xf32> to vector<128x1xf32>
    %mul3A_46 = arith.mulf %slice3A_45, %slice3A_45 : vector<128x1xf32>
    %sub3A_47 = arith.constant 1.000000e+00 : f32
    %sub3A_48 = vector.broadcast %sub3A_47 : f32 to vector<128x1xf32>
    %sub3A_49 = arith.subf %sub3A_48, %mul3A_46 : vector<128x1xf32>
    %mul3A_50 = arith.mulf %broadcast_in_dim3A_44, %sub3A_49 : vector<128x1xf32>
    %slice3A_51 = vector.extract_strided_slice %get3A_1 {offsets = [0, 1], sizes = [128, 1], strides = [1, 1]} : vector<128x4xf32> to vector<128x1xf32>
    %mul3A_52 = arith.mulf %slice3A_51, %slice3A_51 : vector<128x1xf32>
    %sub3A_53 = arith.constant 1.000000e+00 : f32
    %sub3A_54 = vector.broadcast %sub3A_53 : f32 to vector<128x1xf32>
    %sub3A_55 = arith.subf %sub3A_54, %mul3A_52 : vector<128x1xf32>
    %mul3A_56 = arith.mulf %mul3A_50, %sub3A_55 : vector<128x1xf32>
    %slice3A_57 = vector.extract_strided_slice %get3A_1 {offsets = [0, 2], sizes = [128, 1], strides = [1, 1]} : vector<128x4xf32> to vector<128x1xf32>
    %mul3A_58 = arith.mulf %slice3A_57, %slice3A_57 : vector<128x1xf32>
    %sub3A_59 = arith.constant 1.000000e+00 : f32
    %sub3A_60 = vector.broadcast %sub3A_59 : f32 to vector<128x1xf32>
    %sub3A_61 = arith.subf %sub3A_60, %mul3A_58 : vector<128x1xf32>
    %mul3A_62 = arith.mulf %mul3A_56, %sub3A_61 : vector<128x1xf32>
    %slice3A_63 = vector.extract_strided_slice %get3A_1 {offsets = [0, 3], sizes = [128, 1], strides = [1, 1]} : vector<128x4xf32> to vector<128x1xf32>
    %mul3A_64 = arith.mulf %slice3A_63, %slice3A_63 : vector<128x1xf32>
    %sub3A_65 = arith.constant 1.000000e+00 : f32
    %sub3A_66 = vector.broadcast %sub3A_65 : f32 to vector<128x1xf32>
    %sub3A_67 = arith.subf %sub3A_66, %mul3A_64 : vector<128x1xf32>
    %mul3A_68 = arith.mulf %mul3A_62, %sub3A_67 : vector<128x1xf32>
    %reduce_sum3A_69 = arith.constant dense<0.000000e+00> : vector<1xf32>
    %reduce_sum3A_70 = vector.multi_reduction <add>, %mul3A_68, %reduce_sum3A_69 [0] : vector<128x1xf32> to vector<1xf32>
    %broadcast_in_dim3A_71 = vector.shape_cast %reduce_sum3A_70 : vector<1xf32> to vector<1x1xf32>
    %eq3A = arith.constant 0 : i32
    %eq3A_72 = arith.cmpi eq, %arg0, %eq3A : i32
    %eq3A_73 = arith.constant 0 : i32
    %eq3A_74 = arith.cmpi eq, %arg1, %eq3A_73 : i32
    %and3A = arith.andi %eq3A_72, %eq3A_74 : i1
    %convert_element_type3A = arith.extui %and3A : i1 to i32
    %cond3A = arith.constant 0 : i32
    %cond3A_75 = arith.cmpi ne, %convert_element_type3A, %cond3A : i32
    scf.if %cond3A_75 {
      %swap3A = arith.constant 0 : index
      %swap3A_88 = arith.constant 0 : index
      %swap3A_89 = vector.load %arg5[%swap3A, %swap3A_88] : memref<1x1xf32, #tpu.memory_space<vmem>>, vector<1x1xf32>
      tpu.vector_store %arg5[%swap3A, %swap3A_88], %broadcast_in_dim3A_42 {strides = array<i32>} : memref<1x1xf32, #tpu.memory_space<vmem>>, vector<1x1xf32>,
      %swap3A_90 = arith.constant 0 : index
      %swap3A_91 = arith.constant 0 : index
      %swap3A_92 = vector.load %arg4[%swap3A_90, %swap3A_91] : memref<1x1xf32, #tpu.memory_space<vmem>>, vector<1x1xf32>
      tpu.vector_store %arg4[%swap3A_90, %swap3A_91], %broadcast_in_dim3A_71 {strides = array<i32>} : memref<1x1xf32, #tpu.memory_space<vmem>>, vector<1x1xf32>,
    } else {
    }
    %not3A = arith.constant true
    %not3A_76 = arith.xori %and3A, %not3A : i1
    %convert_element_type3A_77 = arith.extui %not3A_76 : i1 to i32
    %cond3A_78 = arith.constant 0 : i32
    %cond3A_79 = arith.cmpi ne, %convert_element_type3A_77, %cond3A_78 : i32
    scf.if %cond3A_79 {
      %get3A_88 = arith.constant 0 : index
      %get3A_89 = arith.constant 0 : index
      %get3A_90 = vector.load %arg5[%get3A_88, %get3A_89] : memref<1x1xf32, #tpu.memory_space<vmem>>, vector<1x1xf32>
      %add3A = arith.addf %get3A_90, %broadcast_in_dim3A_42 : vector<1x1xf32>
      %swap3A = arith.constant 0 : index
      %swap3A_91 = arith.constant 0 : index
      %swap3A_92 = vector.load %arg5[%swap3A, %swap3A_91] : memref<1x1xf32, #tpu.memory_space<vmem>>, vector<1x1xf32>
      tpu.vector_store %arg5[%swap3A, %swap3A_91], %add3A {strides = array<i32>} : memref<1x1xf32, #tpu.memory_space<vmem>>, vector<1x1xf32>,
    } else {
    }
    %not3A_80 = arith.constant true
    %not3A_81 = arith.xori %and3A, %not3A_80 : i1
    %eq3A_82 = arith.constant 0 : i32
    %eq3A_83 = arith.cmpi eq, %arg1, %eq3A_82 : i32
    %and3A_84 = arith.andi %not3A_81, %eq3A_83 : i1
    %convert_element_type3A_85 = arith.extui %and3A_84 : i1 to i32
    %cond3A_86 = arith.constant 0 : i32
    %cond3A_87 = arith.cmpi ne, %convert_element_type3A_85, %cond3A_86 : i32
    scf.if %cond3A_87 {
      %get3A_88 = arith.constant 0 : index
      %get3A_89 = arith.constant 0 : index
      %get3A_90 = vector.load %arg4[%get3A_88, %get3A_89] : memref<1x1xf32, #tpu.memory_space<vmem>>, vector<1x1xf32>
      %add3A = arith.addf %get3A_90, %broadcast_in_dim3A_71 : vector<1x1xf32>
      %swap3A = arith.constant 0 : index
      %swap3A_91 = arith.constant 0 : index
      %swap3A_92 = vector.load %arg4[%swap3A, %swap3A_91] : memref<1x1xf32, #tpu.memory_space<vmem>>, vector<1x1xf32>
      tpu.vector_store %arg4[%swap3A, %swap3A_91], %add3A {strides = array<i32>} : memref<1x1xf32, #tpu.memory_space<vmem>>, vector<1x1xf32>,
    } else {
    }
    return
  }
  func.func @transform_0(%arg0: i32, %arg1: i32) -> (i32, i32) {
    %c0_i32 = arith.constant 0 : i32
    %c0_i32_0 = arith.constant 0 : i32
    return %arg0, %c0_i32 : i32, i32
  }
  func.func @transform_1(%arg0: i32, %arg1: i32) -> (i32, i32) {
    %c0_i32 = arith.constant 0 : i32
    %c0_i32_0 = arith.constant 0 : i32
    return %arg1, %c0_i32 : i32, i32
  }
  func.func @transform_2(%arg0: i32, %arg1: i32) -> (i32, i32) {
    %c0_i32 = arith.constant 0 : i32
    %c0_i32_0 = arith.constant 0 : i32
    %c0_i32_1 = arith.constant 0 : i32
    return %c0_i32, %c0_i32_0 : i32, i32
  }
  func.func @transform_3(%arg0: i32, %arg1: i32) -> (i32, i32) {
    %c0_i32 = arith.constant 0 : i32
    %c0_i32_0 = arith.constant 0 : i32
    %c0_i32_1 = arith.constant 0 : i32
    return %c0_i32, %c0_i32_0 : i32, i32
  }
}

</mosaic_0001>

<sc_bundles>
// kernel: gather_offload_async_start.1
scs
__scs_entry_jumppad:
0x0: {  	(pc) =	sbr.rel $0x88, $3  }
0x1: {  	(tag) =	ssettag $0x0;
	lr =	simm.s32 $0x1  }
0x2: {  	[smem:$0x3F84] =	sst lr;
	_ =	strace $0xD0000000  }
0x3: {  	_ = 	snop  }
0x4: {  	_ = 	snop  }
0x5: {  	_ = 	snop  }
0x6: {  	_ = 	snop  }
0x7: {  	_ = 	snop  }
__scs_overlays_trampoline_lowered:
0x8: {  	[smem:$0x3F93] =	sst s0  }
0x9: {  	[smem:$0x3F94] =	sst s1  }
0xa: {  	[smem:$0x3F95] =	sst s2  }
0xb: {  	[smem:$0x3F96] =	sst s3  }
0xc: {  	[smem:$0x3F97] =	sst s4  }
0xd: {  	[smem:$0x3F98] =	sst s5  }
0xe: {  	[smem:$0x3F99] =	sst s6  }
0xf: {  	[smem:$0x3F9A] =	sst s7  }
0x10: {  	[smem:$0x3F9B] =	sst s8  }
0x11: {  	[smem:$0x3F9C] =	sst s9;
	s0 =	simm.s32 @!p0 $0x0  }
0x12: {  	s1 =	sld [smem:$0x3F82];
	s0 =	simm.s32 @p0 $0x1  }
0x13: {  	[smem:$0x3F9D] =	sst s0;
	s0 =	simm.s32 @!p1 $0x0  }
0x14: {  	s2 =	sld [smem:$0x3F81];
	s0 =	simm.s32 @p1 $0x1  }
0x15: {  	[smem:$0x3F9E] =	sst s0;
	s0 =	simm.s32 @!p2 $0x0  }
0x16: {  	s3 =	sld [smem:$0x3FDB];
	s0 =	simm.s32 @p2 $0x1  }
0x17: {  	s4 =	simm.s32 $0x1BF5;
	[smem:$0x3FA0] =	sst s0  }
0x18: {  	s0 =	sld [smem:$0x3F83];
	_ =	swait.ge [sflag:s4], $0x0  }
0x19: {  	s7 =	sld [smem:$0x3F84]  }
0x1a: {  	s8 =	sadd.s32 $0xFFFFE003, lr  }
0x1b: {  	s9 =	sadd.s32 $0xFFFFFEF7, lr;
	s5 =	simm.s32 $0xFFFFFFFF;
	p2 =	slt.u32 s8, $0xFFFFF086  }
0x1c: {  	p1 =	slt.u32 s9, $0xF7A;
	s5 =	simm.s32 @!p2 $0x0  }
0x1d: {  	s5 =	simm.s32 @p1 $0x1;
	p0 =	seq.s32 s7, s2  }
0x1e: {  	s7 =	smul.u32 @!p0 $0xF7A, s2;
	p2 =	seq.s32 @!p0 s5, $0x0  }
0x1f: {  	s9 =	smul.u32 $0xF7A, s1;
	s8 =	simm.s32 @!p0 $0x1BF5;
	p2 =	por !p2, p0  }
0x20: {  	[sflag:s8] =	ssyncset.s32 @!p0 $0xFFFFF086;
	s6 =	sadd.s32 @!p0 s3, s7;
	s7 =	simm.s32 @!p0 $0x108  }
0x21: {  	s3 =	sadd.s32 s3, s9;
	s6 =	sadd.s32 @!p0 $0x88, s6;
	s7 =	simm.s32 @p2 $0x1082  }
0x22: {  	[simem:s7], [sflag:s8] =	dma.local @!p0 [hbm:s6], $0xF7A  }
0x23: {  	s9 =	sor.u32 $0xD0000000, s2;
	s6 =	simm.s32 $0x108;
	_ =	swait.ge @!p0 [sflag:s8], $0x0  }
0x24: {  	s3 =	sadd.s32 $0x88, s3;
	s6 =	simm.s32 @!p1 $0x1082;
	[sflag:s4] =	ssyncset.s32 $0xFFFFF086  }
0x25: {  	[simem:s6], [sflag:s4] =	dma.local [hbm:s3], $0xF7A  }
0x26: {  	[smem:$0x3F84] =	sst s1;
	(tag) =	ssettag s2;
	_ =	strace s9  }
0x27: {  	s1 =	sld [smem:$0x3F94]  }
0x28: {  	s2 =	sld [smem:$0x3F95]  }
0x29: {  	s4 =	sld [smem:$0x3F97]  }
0x2a: {  	p0 =	seq.s32 s5, $0x0;
	s5 =	sld [smem:$0x3F98]  }
0x2b: {  	s6 =	sld [smem:$0x3F99]  }
0x2c: {  	s7 =	sld [smem:$0x3F9A]  }
0x2d: {  	s3 =	simm.s32 $0x108;
	s8 =	sld [smem:$0x3F9B]  }
0x2e: {  	s3 =	simm.s32 @!p0 $0x1082;
	s9 =	sld [smem:$0x3F9C]  }
0x2f: {  	lr =	sadd.s32 s0, s3;
	s0 =	sld [smem:$0x3F93]  }
0x30: {  	s3 =	sld [smem:$0x3F96]  }
0x31: {  	[smem:$0x3F9F] =	sst s10  }
0x32: {  	s10 =	sld [smem:$0x3F9D];
	_ =	sdelay $0x3  }
0x33: {  	p0 =	seq.s32 s10, $0x1;
	s10 =	sld [smem:$0x3F9F];
	_ =	sdelay $0x3  }
0x34: {  	[smem:$0x3F9F] =	sst s10  }
0x35: {  	s10 =	sld [smem:$0x3F9E];
	_ =	sdelay $0x3  }
0x36: {  	p1 =	seq.s32 s10, $0x1;
	s10 =	sld [smem:$0x3F9F];
	_ =	sdelay $0x3  }
0x37: {  	[smem:$0x3F9F] =	sst s10  }
0x38: {  	s10 =	sld [smem:$0x3FA0]  }
0x39: {  	_ = 	snop;
	(pc) =	sbr.ind lr, $3  }
0x3a: {  	_ = 	snop  }
0x3b: {  	_ = 	snop  }
0x3c: {  	p2 =	seq.s32 s10, $0x1;
	s10 =	sld [smem:$0x3F9F]  }
0x3d: {  	_ =	shalt  }
0x3e: {  	_ =	shalt  }
0x3f: {  	_ =	shalt  }
0x40: {  	_ =	shalt  }
0x41: {  	_ =	shalt  }
0x42: {  	_ =	shalt  }
0x43: {  	_ =	shalt  }
0x44: {  	_ =	shalt  }
0x45: {  	_ =	shalt  }
0x46: {  	_ =	shalt  }
0x47: {  	_ =	shalt  }
0x48: {  	_ =	shalt  }
0x49: {  	_ =	shalt  }
0x4a: {  	_ =	shalt  }
0x4b: {  	_ =	shalt  }
0x4c: {  	_ =	shalt  }
0x4d: {  	_ =	shalt  }
0x4e: {  	_ =	shalt  }
0x4f: {  	_ =	shalt  }
0x50: {  	_ =	shalt  }
0x51: {  	_ =	shalt  }
0x52: {  	_ =	shalt  }
0x53: {  	_ =	shalt  }
0x54: {  	_ =	shalt  }
0x55: {  	_ =	shalt  }
0x56: {  	_ =	shalt  }
0x57: {  	_ =	shalt  }
0x58: {  	_ =	shalt  }
0x59: {  	_ =	shalt  }
0x5a: {  	_ =	shalt  }
0x5b: {  	_ =	shalt  }
0x5c: {  	_ =	shalt  }
0x5d: {  	_ =	shalt  }
0x5e: {  	_ =	shalt  }
0x5f: {  	_ =	shalt  }
0x60: {  	_ =	shalt  }
0x61: {  	_ =	shalt  }
0x62: {  	_ =	shalt  }
0x63: {  	_ =	shalt  }
0x64: {  	_ =	shalt  }
0x65: {  	_ =	shalt  }
0x66: {  	_ =	shalt  }
0x67: {  	_ =	shalt  }
0x68: {  	_ =	shalt  }
0x69: {  	_ =	shalt  }
0x6a: {  	_ =	shalt  }
0x6b: {  	_ =	shalt  }
0x6c: {  	_ =	shalt  }
0x6d: {  	_ =	shalt  }
0x6e: {  	_ =	shalt  }
0x6f: {  	_ =	shalt  }
0x70: {  	_ =	shalt  }
0x71: {  	_ =	shalt  }
0x72: {  	_ =	shalt  }
0x73: {  	_ =	shalt  }
0x74: {  	_ =	shalt  }
0x75: {  	_ =	shalt  }
0x76: {  	_ =	shalt  }
0x77: {  	_ =	shalt  }
0x78: {  	_ =	shalt  }
0x79: {  	_ =	shalt  }
0x7a: {  	_ =	shalt  }
0x7b: {  	_ =	shalt  }
0x7c: {  	_ =	shalt  }
0x7d: {  	_ =	shalt  }
0x7e: {  	_ =	shalt  }
0x7f: {  	_ =	shalt  }
0x80: {  	_ =	shalt  }
0x81: {  	_ =	shalt  }
0x82: {  	_ =	shalt  }
0x83: {  	_ =	shalt  }
0x84: {  	_ =	shalt  }
0x85: {  	_ =	shalt  }
0x86: {  	_ =	shalt  }
0x87: {  	_ =	shalt  }
.Lfunc_end0:
.L_simem_size_0:
called_computation.1_lowered:
.L_overlay_start_0:
0x88: {  	s2 =	sld [smem:$0x3FD9]  }
0x89: {  	s3 =	sld [smem:$0x3FFE];
	_ =	sdelay $0x1  }
0x8a: {  	s1 =	srdreg.scid  }
0x8b: {  	s0 =	sand.u32 $0x1, s1  }
0x8c: {  	s16 =	sshll.u32 s0, $0xA;
	s2 =	sadd.s32 s3, s2  }
0x8d: {  	s2 =	sadd.s32 s2, s16  }
0x8e: {  	[smem:$0x3FAB] =	sst s2  }
0x8f: {  	_ = 	snop  }
0x90: {  	(tm) =	ssettm $0x1  }
0x91: {  	s17 =	sld [smem:$0x3FFB];
	_ =	sdelay $0x3  }
0x92: {  	_ =	strace s17  }
0x93: {  	s2 =	sld [smem:$0x3FFC];
	_ =	sdelay $0x3  }
0x94: {  	_ =	strace s2  }
0x95: {  	s2 =	sld [smem:$0x3FFD];
	_ =	sdelay $0x3  }
0x96: {  	_ =	strace s2  }
0x97: {  	_ =	strace $0x8FFFFFFF  }
0x98: {  	s18 =	sld [smem:$0x3FDB];
	_ =	sdelay $0x1  }
0x99: {  	s19 =	simm.s32 $_scs_section_size  }
0x9a: {  	s4 =	simm.s32 $_size__tile_overlayer_lowered;
	s5 =	simm.s32 $_tile_overlayer_lowered  }
0x9b: {  	s22 =	simm.s32 $0x1BFF;
	s21 =	sshll.u32 s5, $0x1;
	s2 =	sadd.s32 s19, s18  }
0x9c: {  	s6 =	simm.s32 $0x0;
	s20 =	sshll.u32 s4, $0x1;
	s4 =	sadd.s32 s21, s2  }
0x9d: {  	[timem:s6], [sflag:s22] =	dma.local [hbm:s4], s20  }
0x9e: {  	_ =	swait.ge [sflag:s22], s20  }
0x9f: {  	s3 =	ssub.s32 $0x0, s20;
	[sflag:s22] =	ssyncset.done $0x0  }
0xa0: {  	[sflag:s22] =	ssyncadd.s32 s3;
	_ =	sdelay $0x1  }
0xa1: {  	s23 =	simm.s32 $0x1B8B  }
0xa2: {  	_ =	swait.ge [sflag:s23], $0x1  }
0xa3: {  	[sflag:s23] =	ssyncset.done $0x0  }
0xa4: {  	s25 =	simm.s32 $0x1B8E;
	s24 =	sld [smem:$0x3FFE];
	[sflag:s23] =	ssyncadd.s32 $0xFFFFFFFF  }
0xa5: {  	s26 =	simm.s32 $execute0_lowered;
	[smem:$0x3FD2] =	sst s25  }
0xa6: {  	s4 =	sshll.u32 s26, $0x1;
	_ =	strace $0x80000049;
	[dreg:$0x1] =	wrdreg $0xFFFFFFFF  }
0xa7: {  	s28 =	simm.s32 $_size_execute0_lowered;
	s2 =	sadd.s32 s2, s4;
	[dreg:$0x0] =	wrdreg $0x0  }
0xa8: {  	s4 =	sshll.u32 s28, $0x1;
	[dreg:$0x2] =	wrdreg s2  }
0xa9: {  	[dreg:$0x3] =	wrdreg s4  }
0xaa: {  	[dreg:$0x4] =	wrdreg $0xC0  }
0xab: {  	_ =	task [dreg:s6], $0x5FFFF  }
0xac: {  	[dreg:$0x1] =	wrdreg $0xFFFFFFFF  }
0xad: {  	[dreg:$0x0] =	wrdreg $0x60  }
0xae: {  	[dreg:$0x2] =	wrdreg s24  }
0xaf: {  	[dreg:$0x3] =	wrdreg $0x9  }
0xb0: {  	_ =	task.clear_ibuf [dreg:s6], $0x4FFFF;
	_ =	strace $0x90000049  }
0xb1: {  	s29 =	simm.s32 $0x9;
	_ =	strace $0x8000004B  }
0xb2: {  	_ =	swait.ge [sflag:s29], $0x1  }
0xb3: {  	[sflag:s29] =	ssyncadd.s32 $0xFFFFFFFF  }
0xb4: {  	_ =	strace $0x9000004B  }
0xb5: {  	_ =	sfence  }
0xb6: {  	s30 =	sld [smem:$0x0];
	_ =	sdelay $0x2  }
0xb7: {  	s31 =	sshll.u32 s1, $0xD;
	s1 =	sshrl.u32 s1, $0x2  }
0xb8: {  	s3 =	sand.u32 $0x4000, s31;
	s1 =	sadd.s32 s1, s30  }
0xb9: {  	s0 =	sor.u32 s3, s0;
	s1 =	sshll.u32 s1, $0x11  }
0xba: {  	s0 =	sor.u32 s1, s0  }
0xbb: {  	s0 =	sadd.s32 $0x8F2B, s0  }
0xbc: {  	[sflag:s0] =	ssyncadd.remote.s32 $0x1  }
0xbd: {  	_ =	sfence.sel $0xFFFF  }
0xbe: {  	[dreg:$0x0] =	wrdreg $0xFFFFFFFF;
	(pc) =	sbr.abs _section_cstart, $3  }
0xbf: {  	[dreg:$0x1] =	wrdreg $0xFFFFFFFF  }
0xc0: {  	_ =	task.clear_ibuf [dreg:s6], $0x2FFFF;
	_ =	strace $0x9FFFFFFF  }
0xc1: {  	(tm) =	ssettm $0x7FFFFFFF  }
tec
execute0_lowered:
.L_overlay_start_1:
0x0: {  	(tag) =	ssettag $0x1  }
0x1: {  	s2 =	rddreg [dreg:$0x0]  }
0x2: {  	s0 =	rddreg [dreg:$0x1]  }
0x3: {  	s1 =	srdreg.scid;
	_ =	strace $0x8000004A;
	s4 =	simm.s32 $0x1  }
0x4: {  	s9 =	simm.s32 $0x3;
	s12 =	simm.s32 $0x0;
	s5 =	sshll.u32 s1, $0x4  }
.Ltmp0:
0x5: {  	s1 =	stileid.u32;
	s5 =	sand.u32 $0x10, s5;
	(pc) =	sbr.rel .LBB2_1-.Ltmp0, $4  }
0x6: {  	s10 =	simm.s32 $0x0;
	s3 =	sadd.s32 $0x8000, s2;
	s6 =	sor.u32 s1, s5  }
0x7: {  	[sflag:s4] =	ssyncpa.u1 $0x0;
	s5 =	simm.s32 $0x2;
	s6 =	sshll.u32 s6, $0x6  }
0x8: {  	s7 =	sadd.s32 $0x8200, s2;
	[sflag:s5] =	ssyncpa.u1 $0x0;
	s8 =	sadd.s32 $0x40, s6  }
0x9: {  	vm0 =	vmmov $0xff;
	vm1 =	vcmask $0x3F20;
	[sflag:s9] =	ssyncpa.u1 $0x0;
	s9 =	simm.s32 $0x40;
	s11 =	smov.u32 s6  }
.LBB2_9:
0xa: {  	p0 =	seq.s32 s10, $0x2  }
.Ltmp1:
0xb: {  	_ = 	snop;
	(pc) =	sbr.rel @p0 .LBB2_11-.Ltmp1, $1  }
0xc: {  	_ =	sdelay $0x3  }
.LBB2_10:
0xd: {  	s12 =	sadd.s32 $0x40, s11  }
0xe: {  	s13 =	smov.u32 s6;
	p0 =	slt.s32 s12, s8  }
0xf: {  	s13 =	smov.u32 @p0 s12  }
0x10: {  	s10 =	sadd.s32 $0x1, s10;
	s12 =	smov.u32 s11;
	s11 =	smov.u32 s13  }
.LBB2_1:
0x11: {  	p0 =	sne.s32 s10, $0x0  }
.Ltmp2:
0x12: {  	_ = 	snop;
	(pc) =	sbr.rel @!p0 .LBB2_2-.Ltmp2, $1  }
0x13: {  	_ =	sdelay $0x3  }
0x14: {  	s13 =	sand.u32 $0x1, s10  }
0x15: {  	p0 =	seq.s32 s13, $0x0  }
.Ltmp3:
0x16: {  	_ = 	snop;
	(pc) =	sbr.rel @p0 .LBB2_9-.Ltmp3, $1  }
0x17: {  	_ =	sdelay $0x3  }
0x18: {  	_ =	swait.ge [sflag:s5], $0x40  }
0x19: {  	[sflag:s5] =	ssyncset.done $0x0  }
0x1a: {  	s13 =	simm.s32 $0x0;
	[sflag:s5] =	ssyncadd.s32 $0xFFFFFFC0  }
0x1b: {  	v0 =	vld.msk [tilespmem:s13+$0x40 ss:$0x1], $0xffff;
	_ =	sdelay $0x4  }
0x1c: {  	vm2 =	vgt.s32 v0, $0x0  }
0x1d: {  	v0 =	vnsel vm2, $0x0, v0  }
0x1e: {  	v0 =	vmin.u32 v0, $0x7FF  }
0x1f: {  	v0 =	vshll.u32 v0, $0x4;
	_ =	sdelay $0x3  }
0x20: {  	s13 =	simm.s32 $0x2080  }
0x21: {  	[tilespmem:s13], [sflag:$0x1] =	stream.indirect_vreg.gather [hbm:s2], $0x80, v0, vm0, $0x38;
	[tilespmem:$0x4080] =	vst v63  }
0x22: {  	s14 =	simm.s32 $0x2480;
	s31 =	simm.s32 $0x10  }
0x23: {  	[tilespmem:s14], [sflag:$0x1] =	stream.indirect_vreg.gather [hbm:s2], $0x80, v0, vm1, $0x38;
	[tilespmem:$0x4080] =	vst v63  }
0x24: {  	s14 =	simm.s32 $0x80;
	v0 =	vld.msk [tilespmem:s31+$0x40 ss:$0x1], $0xffff  }
.LBB2_5:
0x25: {  	p0 =	sne.s32 s14, $0xC0;
	_ =	sdelay $0x4  }
0x26: {  	vm2 =	vgt.s32 v0, $0x0  }
0x27: {  	v0 =	vnsel vm2, $0x0, v0  }
0x28: {  	v0 =	vmin.u32 v0, $0x7FF  }
0x29: {  	v0 =	vshll.u32 v0, $0x4;
	_ =	sdelay $0x3  }
.Ltmp4:
0x2a: {  	s13 =	sadd.s32 $0x800, s13;
	(pc) =	sbr.rel @p0 .LBB2_5-.Ltmp4, $4  }
0x2b: {  	[tilespmem:s13], [sflag:$0x1] =	stream.indirect_vreg.gather [hbm:s2], $0x80, v0, vm0, $0x38;
	[tilespmem:$0x4080] =	vst v63  }
0x2c: {  	s15 =	sshra.s32 s14, $0x2;
	s16 =	sadd.s32 $0x400, s13  }
0x2d: {  	[tilespmem:s16], [sflag:$0x1] =	stream.indirect_vreg.gather [hbm:s2], $0x80, v0, vm1, $0x38;
	[tilespmem:$0x4080] =	vst v63  }
0x2e: {  	s14 =	sadd.s32 $0x40, s14;
	v0 =	vld.msk [tilespmem:s15+$0x40 ss:$0x1], $0xffff  }
0x2f: {  	_ =	sdelay $0x3  }
0x30: {  	vm2 =	vgt.s32 v0, $0x0  }
0x31: {  	v0 =	vnsel vm2, $0x0, v0  }
0x32: {  	v0 =	vmin.u32 v0, $0x7FF  }
0x33: {  	v0 =	vshll.u32 v0, $0x4;
	_ =	sdelay $0x3  }
0x34: {  	s13 =	sadd.s32 $0x800, s13  }
0x35: {  	[tilespmem:s13], [sflag:$0x1] =	stream.indirect_vreg.gather [hbm:s2], $0x80, v0, vm0, $0x38;
	[tilespmem:$0x4080] =	vst v63  }
0x36: {  	s13 =	sadd.s32 $0x400, s13  }
0x37: {  	[tilespmem:s13], [sflag:$0x1] =	stream.indirect_vreg.gather [hbm:s2], $0x80, v0, vm1, $0x38;
	[tilespmem:$0x4080] =	vst v63  }
0x38: {  	s12 =	sshll.u32 s12, $0x4;
	s14 =	simm.s32 $0x80;
	_ =	swait.ge [sflag:s4], $0x2000  }
0x39: {  	s15 =	simm.s32 $0x2480;
	s12 =	sadd.s32 s12, s7;
	[sflag:s4] =	ssyncset.done $0x0  }
0x3a: {  	s16 =	sadd.s32 $0x0, s12;
	s13 =	simm.s32 $0x2080;
	[sflag:s4] =	ssyncadd.s32 $0xFFFFE000  }
.LBB2_7:
0x3b: {  	[hbm:s16] =	stream.linear.scatter [tilespmem:s13], [sflag:$0x3], $0x400, $0x38;
	[tilespmem:$0x4080] =	vst v63  }
0x3c: {  	s16 =	smov.u32 s14;
	s13 =	smov.u32 s15;
	p0 =	sne.s32 s14, $0x380  }
.Ltmp5:
0x3d: {  	s14 =	sadd.s32 $0x80, s14;
	(pc) =	sbr.rel @p0 .LBB2_7-.Ltmp5, $2  }
0x3e: {  	_ =	sdelay $0x2  }
0x3f: {  	s15 =	sadd.s32 $0x400, s15;
	s16 =	sadd.s32 s16, s12  }
.Ltmp6:
0x40: {  	(pc) =	sbr.rel .LBB2_9-.Ltmp6, $2  }
0x41: {  	_ =	sdelay $0x2  }
0x42: {  	[hbm:s16] =	stream.linear.scatter [tilespmem:s13], [sflag:$0x3], $0x400, $0x38;
	[tilespmem:$0x4080] =	vst v63  }
.LBB2_2:
.Ltmp7:
0x43: {  	(pc) =	sbr.rel .LBB2_10-.Ltmp7, $4  }
0x44: {  	_ = 	snop  }
0x45: {  	s12 =	sshrl.u32 s11, $0x3  }
0x46: {  	s13 =	sand.u32 $0x7, s11;
	s12 =	sadd.s32 s3, s12  }
0x47: {  	[tilespmem:s9], [sflag:$0x2] =	stream.linear.gather [hbm4b:s12+s13], $0x40, $0x38;
	[tilespmem:$0x4080] =	vst v63  }
.LBB2_11:
0x48: {  	s2 =	simm.s32 $0x3  }
0x49: {  	_ =	swait.ge [sflag:s2], $0x2000  }
0x4a: {  	[sflag:s2] =	ssyncset.done $0x0  }
0x4b: {  	[sflag:s2] =	ssyncadd.s32 $0xFFFFE000  }
0x4c: {  	_ =	sfence.sel $0x180000  }
0x4d: {  	s3 =	simm.s32 $0x2;
	[bflag:$0x0] =	sbarrier.arrive $0xFFFF  }
0x4e: {  	[sflag:s3] =	ssyncpa.u1 $0x1  }
0x4f: {  	s31 =	simm.s32 $0x1;
	[sflag:s2] =	ssyncpa.u1 $0x1  }
0x50: {  	[sflag:s31] =	ssyncpa.u1 $0x1  }
0x51: {  	p0 =	sne.s32 s1, $0x0;
	_ =	strace $0x9000004A  }
0x52: {  	s0 =	sadd.s32 @!p0 $0x100000, s0;
	[bflag:$0x2] =	sbarrier.arrive $0xFFFF  }
0x53: {  	[sflag:s0] =	ssyncadd.tile.s32 @!p0 $0x1;
	_ =	shalt  }
.Lfunc_end2:
_tile_overlayer_lowered:
.L_overlay_start_2:
0x54: {  	(tag) =	ssettag $0x2  }
0x55: {  	s0 =	rddreg [dreg:$0x0];
	s2 =	stileid.u32  }
0x56: {  	s1 =	rddreg [dreg:$0x1];
	p0 =	sne.s32 s2, $0x0  }
0x57: {  	s3 =	rddreg [dreg:$0x2];
	[bflag:$0x3] =	sbarrier.arrive $0xFFFF;
	s2 =	simm.s32 @!p0 $0x1C01  }
0x58: {  	[timem:s3], [sflag:s2] =	dma.local @!p0 [hbm:s0], s1  }
0x59: {  	s0 =	simm.s32 @!p0 $0x1  }
0x5a: {  	_ =	swait.ge @!p0 [sflag:s0], s1  }
0x5b: {  	s1 =	ssub.s32 @!p0 $0x0, s1;
	[sflag:s0] =	ssyncset.done @!p0 $0x0  }
0x5c: {  	[sflag:s0] =	ssyncadd.s32 @!p0 s1  }
0x5d: {  	[bflag:$0x3] =	sbarrier.arrive $0xFFFF  }
0x5e: {  	_ =	shalt  }

// kernel: gather_offload_async_start
scs
__scs_entry_jumppad:
0x0: {  	(pc) =	sbr.rel $0x88, $3  }
0x1: {  	(tag) =	ssettag $0x0;
	lr =	simm.s32 $0x1  }
0x2: {  	[smem:$0x3F84] =	sst lr;
	_ =	strace $0xD0000000  }
0x3: {  	_ = 	snop  }
0x4: {  	_ = 	snop  }
0x5: {  	_ = 	snop  }
0x6: {  	_ = 	snop  }
0x7: {  	_ = 	snop  }
__scs_overlays_trampoline_lowered:
0x8: {  	[smem:$0x3F93] =	sst s0  }
0x9: {  	[smem:$0x3F94] =	sst s1  }
0xa: {  	[smem:$0x3F95] =	sst s2  }
0xb: {  	[smem:$0x3F96] =	sst s3  }
0xc: {  	[smem:$0x3F97] =	sst s4  }
0xd: {  	[smem:$0x3F98] =	sst s5  }
0xe: {  	[smem:$0x3F99] =	sst s6  }
0xf: {  	[smem:$0x3F9A] =	sst s7  }
0x10: {  	[smem:$0x3F9B] =	sst s8  }
0x11: {  	[smem:$0x3F9C] =	sst s9;
	s0 =	simm.s32 @!p0 $0x0  }
0x12: {  	s1 =	sld [smem:$0x3F82];
	s0 =	simm.s32 @p0 $0x1  }
0x13: {  	[smem:$0x3F9D] =	sst s0;
	s0 =	simm.s32 @!p1 $0x0  }
0x14: {  	s2 =	sld [smem:$0x3F81];
	s0 =	simm.s32 @p1 $0x1  }
0x15: {  	[smem:$0x3F9E] =	sst s0;
	s0 =	simm.s32 @!p2 $0x0  }
0x16: {  	s3 =	sld [smem:$0x3FDB];
	s0 =	simm.s32 @p2 $0x1  }
0x17: {  	s4 =	simm.s32 $0x1BF5;
	[smem:$0x3FA0] =	sst s0  }
0x18: {  	s0 =	sld [smem:$0x3F83];
	_ =	swait.ge [sflag:s4], $0x0  }
0x19: {  	s7 =	sld [smem:$0x3F84]  }
0x1a: {  	s8 =	sadd.s32 $0xFFFFE003, lr  }
0x1b: {  	s9 =	sadd.s32 $0xFFFFFEF7, lr;
	s5 =	simm.s32 $0xFFFFFFFF;
	p2 =	slt.u32 s8, $0xFFFFF086  }
0x1c: {  	p1 =	slt.u32 s9, $0xF7A;
	s5 =	simm.s32 @!p2 $0x0  }
0x1d: {  	s5 =	simm.s32 @p1 $0x1;
	p0 =	seq.s32 s7, s2  }
0x1e: {  	s7 =	smul.u32 @!p0 $0xF7A, s2;
	p2 =	seq.s32 @!p0 s5, $0x0  }
0x1f: {  	s9 =	smul.u32 $0xF7A, s1;
	s8 =	simm.s32 @!p0 $0x1BF5;
	p2 =	por !p2, p0  }
0x20: {  	[sflag:s8] =	ssyncset.s32 @!p0 $0xFFFFF086;
	s6 =	sadd.s32 @!p0 s3, s7;
	s7 =	simm.s32 @!p0 $0x108  }
0x21: {  	s3 =	sadd.s32 s3, s9;
	s6 =	sadd.s32 @!p0 $0x88, s6;
	s7 =	simm.s32 @p2 $0x1082  }
0x22: {  	[simem:s7], [sflag:s8] =	dma.local @!p0 [hbm:s6], $0xF7A  }
0x23: {  	s9 =	sor.u32 $0xD0000000, s2;
	s6 =	simm.s32 $0x108;
	_ =	swait.ge @!p0 [sflag:s8], $0x0  }
0x24: {  	s3 =	sadd.s32 $0x88, s3;
	s6 =	simm.s32 @!p1 $0x1082;
	[sflag:s4] =	ssyncset.s32 $0xFFFFF086  }
0x25: {  	[simem:s6], [sflag:s4] =	dma.local [hbm:s3], $0xF7A  }
0x26: {  	[smem:$0x3F84] =	sst s1;
	(tag) =	ssettag s2;
	_ =	strace s9  }
0x27: {  	s1 =	sld [smem:$0x3F94]  }
0x28: {  	s2 =	sld [smem:$0x3F95]  }
0x29: {  	s4 =	sld [smem:$0x3F97]  }
0x2a: {  	p0 =	seq.s32 s5, $0x0;
	s5 =	sld [smem:$0x3F98]  }
0x2b: {  	s6 =	sld [smem:$0x3F99]  }
0x2c: {  	s7 =	sld [smem:$0x3F9A]  }
0x2d: {  	s3 =	simm.s32 $0x108;
	s8 =	sld [smem:$0x3F9B]  }
0x2e: {  	s3 =	simm.s32 @!p0 $0x1082;
	s9 =	sld [smem:$0x3F9C]  }
0x2f: {  	lr =	sadd.s32 s0, s3;
	s0 =	sld [smem:$0x3F93]  }
0x30: {  	s3 =	sld [smem:$0x3F96]  }
0x31: {  	[smem:$0x3F9F] =	sst s10  }
0x32: {  	s10 =	sld [smem:$0x3F9D];
	_ =	sdelay $0x3  }
0x33: {  	p0 =	seq.s32 s10, $0x1;
	s10 =	sld [smem:$0x3F9F];
	_ =	sdelay $0x3  }
0x34: {  	[smem:$0x3F9F] =	sst s10  }
0x35: {  	s10 =	sld [smem:$0x3F9E];
	_ =	sdelay $0x3  }
0x36: {  	p1 =	seq.s32 s10, $0x1;
	s10 =	sld [smem:$0x3F9F];
	_ =	sdelay $0x3  }
0x37: {  	[smem:$0x3F9F] =	sst s10  }
0x38: {  	s10 =	sld [smem:$0x3FA0]  }
0x39: {  	_ = 	snop;
	(pc) =	sbr.ind lr, $3  }
0x3a: {  	_ = 	snop  }
0x3b: {  	_ = 	snop  }
0x3c: {  	p2 =	seq.s32 s10, $0x1;
	s10 =	sld [smem:$0x3F9F]  }
0x3d: {  	_ =	shalt  }
0x3e: {  	_ =	shalt  }
0x3f: {  	_ =	shalt  }
0x40: {  	_ =	shalt  }
0x41: {  	_ =	shalt  }
0x42: {  	_ =	shalt  }
0x43: {  	_ =	shalt  }
0x44: {  	_ =	shalt  }
0x45: {  	_ =	shalt  }
0x46: {  	_ =	shalt  }
0x47: {  	_ =	shalt  }
0x48: {  	_ =	shalt  }
0x49: {  	_ =	shalt  }
0x4a: {  	_ =	shalt  }
0x4b: {  	_ =	shalt  }
0x4c: {  	_ =	shalt  }
0x4d: {  	_ =	shalt  }
0x4e: {  	_ =	shalt  }
0x4f: {  	_ =	shalt  }
0x50: {  	_ =	shalt  }
0x51: {  	_ =	shalt  }
0x52: {  	_ =	shalt  }
0x53: {  	_ =	shalt  }
0x54: {  	_ =	shalt  }
0x55: {  	_ =	shalt  }
0x56: {  	_ =	shalt  }
0x57: {  	_ =	shalt  }
0x58: {  	_ =	shalt  }
0x59: {  	_ =	shalt  }
0x5a: {  	_ =	shalt  }
0x5b: {  	_ =	shalt  }
0x5c: {  	_ =	shalt  }
0x5d: {  	_ =	shalt  }
0x5e: {  	_ =	shalt  }
0x5f: {  	_ =	shalt  }
0x60: {  	_ =	shalt  }
0x61: {  	_ =	shalt  }
0x62: {  	_ =	shalt  }
0x63: {  	_ =	shalt  }
0x64: {  	_ =	shalt  }
0x65: {  	_ =	shalt  }
0x66: {  	_ =	shalt  }
0x67: {  	_ =	shalt  }
0x68: {  	_ =	shalt  }
0x69: {  	_ =	shalt  }
0x6a: {  	_ =	shalt  }
0x6b: {  	_ =	shalt  }
0x6c: {  	_ =	shalt  }
0x6d: {  	_ =	shalt  }
0x6e: {  	_ =	shalt  }
0x6f: {  	_ =	shalt  }
0x70: {  	_ =	shalt  }
0x71: {  	_ =	shalt  }
0x72: {  	_ =	shalt  }
0x73: {  	_ =	shalt  }
0x74: {  	_ =	shalt  }
0x75: {  	_ =	shalt  }
0x76: {  	_ =	shalt  }
0x77: {  	_ =	shalt  }
0x78: {  	_ =	shalt  }
0x79: {  	_ =	shalt  }
0x7a: {  	_ =	shalt  }
0x7b: {  	_ =	shalt  }
0x7c: {  	_ =	shalt  }
0x7d: {  	_ =	shalt  }
0x7e: {  	_ =	shalt  }
0x7f: {  	_ =	shalt  }
0x80: {  	_ =	shalt  }
0x81: {  	_ =	shalt  }
0x82: {  	_ =	shalt  }
0x83: {  	_ =	shalt  }
0x84: {  	_ =	shalt  }
0x85: {  	_ =	shalt  }
0x86: {  	_ =	shalt  }
0x87: {  	_ =	shalt  }
.Lfunc_end0:
.L_simem_size_0:
called_computation_lowered:
.L_overlay_start_0:
0x88: {  	s2 =	sld [smem:$0x3FD9]  }
0x89: {  	s3 =	sld [smem:$0x3FFE];
	_ =	sdelay $0x1  }
0x8a: {  	s1 =	srdreg.scid  }
0x8b: {  	s0 =	sand.u32 $0x1, s1  }
0x8c: {  	s14 =	sshll.u32 s0, $0xA;
	s2 =	sadd.s32 s3, s2  }
0x8d: {  	s2 =	sadd.s32 s2, s14  }
0x8e: {  	[smem:$0x3FAB] =	sst s2  }
0x8f: {  	_ = 	snop  }
0x90: {  	s2 =	sld [smem:$0x3FD0];
	_ =	sdelay $0x2  }
0x91: {  	s15 =	simm.s32 $0xA;
	s4 =	simm.s32 $0x10  }
0x92: {  	[smem:s4], [sflag:s15] =	dma.local [hbm:s2], $0x1  }
0x93: {  	_ =	swait.eq [sflag:s15], $0x1  }
0x94: {  	[sflag:s15] =	ssyncset.done $0x0  }
0x95: {  	[sflag:s15] =	ssyncadd.s32 $0xFFFFFFFF  }
0x96: {  	s16 =	sld [smem:$0x11];
	(tm) =	ssettm $0x1  }
0x97: {  	s17 =	sld [smem:$0x3FFB];
	_ =	sdelay $0x3  }
0x98: {  	_ =	strace s17  }
0x99: {  	s3 =	sld [smem:$0x3FFC];
	_ =	sdelay $0x3  }
0x9a: {  	_ =	strace s3  }
0x9b: {  	s3 =	sld [smem:$0x3FFD];
	_ =	sdelay $0x3  }
0x9c: {  	_ =	strace s3  }
0x9d: {  	_ =	strace $0x8FFFFFFF  }
0x9e: {  	s18 =	sld [smem:$0x3FDB];
	_ =	sdelay $0x1  }
0x9f: {  	s19 =	simm.s32 $_scs_section_size  }
0xa0: {  	s5 =	simm.s32 $_size__tile_overlayer_lowered;
	s6 =	simm.s32 $_tile_overlayer_lowered  }
0xa1: {  	s22 =	simm.s32 $0x1BFF;
	s21 =	sshll.u32 s6, $0x1;
	s3 =	sadd.s32 s19, s18  }
0xa2: {  	s7 =	simm.s32 $0x0;
	s20 =	sshll.u32 s5, $0x1;
	s5 =	sadd.s32 s21, s3  }
0xa3: {  	[timem:s7], [sflag:s22] =	dma.local [hbm:s5], s20  }
0xa4: {  	_ =	swait.ge [sflag:s22], s20  }
0xa5: {  	s4 =	ssub.s32 $0x0, s20;
	[sflag:s22] =	ssyncset.done $0x0  }
0xa6: {  	[sflag:s22] =	ssyncadd.s32 s4;
	_ =	sdelay $0x1  }
0xa7: {  	s23 =	simm.s32 $0x1B8B  }
0xa8: {  	_ =	swait.ge [sflag:s23], $0x1  }
0xa9: {  	[sflag:s23] =	ssyncset.done $0x0  }
0xaa: {  	s25 =	simm.s32 $0x1B8E;
	s24 =	sld [smem:$0x3FFE];
	[sflag:s23] =	ssyncadd.s32 $0xFFFFFFFF  }
0xab: {  	s26 =	simm.s32 $execute0_lowered;
	[smem:$0x3FD2] =	sst s25  }
0xac: {  	s5 =	sshll.u32 s26, $0x1;
	_ =	strace $0x80000046;
	[dreg:$0x1] =	wrdreg $0xFFFFFFFF  }
0xad: {  	s28 =	simm.s32 $_size_execute0_lowered;
	s3 =	sadd.s32 s3, s5;
	[dreg:$0x0] =	wrdreg $0x0  }
0xae: {  	s5 =	sshll.u32 s28, $0x1;
	[dreg:$0x2] =	wrdreg s3  }
0xaf: {  	[dreg:$0x3] =	wrdreg s5  }
0xb0: {  	[dreg:$0x4] =	wrdreg $0xC0  }
0xb1: {  	_ =	task [dreg:s7], $0x5FFFF  }
0xb2: {  	[dreg:$0x1] =	wrdreg $0xFFFFFFFF  }
0xb3: {  	[dreg:$0x0] =	wrdreg $0x60  }
0xb4: {  	[dreg:$0x2] =	wrdreg s24  }
0xb5: {  	[dreg:$0x3] =	wrdreg s16  }
0xb6: {  	[dreg:$0x4] =	wrdreg $0x9  }
0xb7: {  	_ =	task.clear_ibuf [dreg:s7], $0x5FFFF;
	_ =	strace $0x90000046  }
0xb8: {  	s29 =	simm.s32 $0x9;
	_ =	strace $0x80000048  }
0xb9: {  	_ =	swait.ge [sflag:s29], $0x1  }
0xba: {  	[sflag:s29] =	ssyncadd.s32 $0xFFFFFFFF  }
0xbb: {  	_ =	strace $0x90000048  }
0xbc: {  	_ =	sfence  }
0xbd: {  	s30 =	sld [smem:$0x0];
	_ =	sdelay $0x2  }
0xbe: {  	s31 =	sshll.u32 s1, $0xD;
	s1 =	sshrl.u32 s1, $0x2  }
0xbf: {  	s3 =	sand.u32 $0x4000, s31;
	s1 =	sadd.s32 s1, s30  }
0xc0: {  	s0 =	sor.u32 s3, s0;
	s1 =	sshll.u32 s1, $0x11  }
0xc1: {  	s0 =	sor.u32 s1, s0  }
0xc2: {  	s0 =	sadd.s32 $0x8F2B, s0  }
0xc3: {  	[sflag:s0] =	ssyncadd.remote.s32 $0x1  }
0xc4: {  	_ =	sfence.sel $0xFFFF  }
0xc5: {  	[dreg:$0x0] =	wrdreg $0xFFFFFFFF;
	(pc) =	sbr.abs _section_cstart, $3  }
0xc6: {  	[dreg:$0x1] =	wrdreg $0xFFFFFFFF  }
0xc7: {  	_ =	task.clear_ibuf [dreg:s7], $0x2FFFF;
	_ =	strace $0x9FFFFFFF  }
0xc8: {  	(tm) =	ssettm $0x7FFFFFFF  }
0xc9: {  	_ =	shalt  }
tec
execute0_lowered:
.L_overlay_start_1:
0x0: {  	(tag) =	ssettag $0x1  }
0x1: {  	s2 =	rddreg [dreg:$0x0]  }
0x2: {  	s3 =	rddreg [dreg:$0x1]  }
0x3: {  	s0 =	rddreg [dreg:$0x2];
	s1 =	srdreg.scid;
	_ =	strace $0x80000047  }
0x4: {  	s4 =	simm.s32 $0x1;
	s9 =	simm.s32 $0x3;
	s5 =	sshll.u32 s1, $0x4  }
.Ltmp0:
0x5: {  	s1 =	stileid.u32;
	s5 =	sand.u32 $0x10, s5;
	(pc) =	sbr.rel .LBB2_1-.Ltmp0, $4  }
0x6: {  	s12 =	simm.s32 $0x0;
	s10 =	simm.s32 $0x0;
	s6 =	sor.u32 s1, s5  }
0x7: {  	[sflag:s4] =	ssyncpa.u1 $0x0;
	s5 =	simm.s32 $0x2;
	s6 =	sshll.u32 s6, $0x6  }
0x8: {  	s7 =	sadd.s32 $0x8200, s2;
	[sflag:s5] =	ssyncpa.u1 $0x0;
	s8 =	sadd.s32 $0x40, s6  }
0x9: {  	vm0 =	vmmov $0xff;
	vm1 =	vcmask $0x3F20;
	[sflag:s9] =	ssyncpa.u1 $0x0;
	s9 =	simm.s32 $0x40;
	s11 =	smov.u32 s6  }
.LBB2_9:
0xa: {  	p0 =	seq.s32 s10, $0x2  }
.Ltmp1:
0xb: {  	_ = 	snop;
	(pc) =	sbr.rel @p0 .LBB2_11-.Ltmp1, $1  }
0xc: {  	_ =	sdelay $0x3  }
.LBB2_10:
0xd: {  	s12 =	sadd.s32 $0x40, s11  }
0xe: {  	s13 =	smov.u32 s6;
	p0 =	slt.s32 s12, s8  }
0xf: {  	s13 =	smov.u32 @p0 s12  }
0x10: {  	s10 =	sadd.s32 $0x1, s10;
	s12 =	smov.u32 s11;
	s11 =	smov.u32 s13  }
.LBB2_1:
0x11: {  	p0 =	sne.s32 s10, $0x0  }
.Ltmp2:
0x12: {  	_ = 	snop;
	(pc) =	sbr.rel @!p0 .LBB2_2-.Ltmp2, $1  }
0x13: {  	_ =	sdelay $0x3  }
0x14: {  	s13 =	sand.u32 $0x1, s10  }
0x15: {  	p0 =	seq.s32 s13, $0x0  }
.Ltmp3:
0x16: {  	_ = 	snop;
	(pc) =	sbr.rel @p0 .LBB2_9-.Ltmp3, $1  }
0x17: {  	_ =	sdelay $0x3  }
0x18: {  	_ =	swait.ge [sflag:s5], $0x40  }
0x19: {  	[sflag:s5] =	ssyncset.done $0x0  }
0x1a: {  	s13 =	simm.s32 $0x0;
	[sflag:s5] =	ssyncadd.s32 $0xFFFFFFC0  }
0x1b: {  	v0 =	vld.msk [tilespmem:s13+$0x40 ss:$0x1], $0xffff;
	_ =	sdelay $0x4  }
0x1c: {  	vm2 =	vgt.s32 v0, $0x0  }
0x1d: {  	v0 =	vnsel vm2, $0x0, v0  }
0x1e: {  	v0 =	vmin.u32 v0, $0x7FF  }
0x1f: {  	v0 =	vshll.u32 v0, $0x4;
	_ =	sdelay $0x3  }
0x20: {  	s13 =	simm.s32 $0x2080  }
0x21: {  	[tilespmem:s13], [sflag:$0x1] =	stream.indirect_vreg.gather [hbm:s2], $0x80, v0, vm0, $0x38;
	[tilespmem:$0x4080] =	vst v63  }
0x22: {  	s14 =	simm.s32 $0x2480;
	s31 =	simm.s32 $0x10  }
0x23: {  	[tilespmem:s14], [sflag:$0x1] =	stream.indirect_vreg.gather [hbm:s2], $0x80, v0, vm1, $0x38;
	[tilespmem:$0x4080] =	vst v63  }
0x24: {  	s14 =	simm.s32 $0x80;
	v0 =	vld.msk [tilespmem:s31+$0x40 ss:$0x1], $0xffff  }
.LBB2_5:
0x25: {  	p0 =	sne.s32 s14, $0xC0;
	_ =	sdelay $0x4  }
0x26: {  	vm2 =	vgt.s32 v0, $0x0  }
0x27: {  	v0 =	vnsel vm2, $0x0, v0  }
0x28: {  	v0 =	vmin.u32 v0, $0x7FF  }
0x29: {  	v0 =	vshll.u32 v0, $0x4;
	_ =	sdelay $0x3  }
.Ltmp4:
0x2a: {  	s13 =	sadd.s32 $0x800, s13;
	(pc) =	sbr.rel @p0 .LBB2_5-.Ltmp4, $4  }
0x2b: {  	[tilespmem:s13], [sflag:$0x1] =	stream.indirect_vreg.gather [hbm:s2], $0x80, v0, vm0, $0x38;
	[tilespmem:$0x4080] =	vst v63  }
0x2c: {  	s15 =	sshra.s32 s14, $0x2;
	s16 =	sadd.s32 $0x400, s13  }
0x2d: {  	[tilespmem:s16], [sflag:$0x1] =	stream.indirect_vreg.gather [hbm:s2], $0x80, v0, vm1, $0x38;
	[tilespmem:$0x4080] =	vst v63  }
0x2e: {  	s14 =	sadd.s32 $0x40, s14;
	v0 =	vld.msk [tilespmem:s15+$0x40 ss:$0x1], $0xffff  }
0x2f: {  	_ =	sdelay $0x3  }
0x30: {  	vm2 =	vgt.s32 v0, $0x0  }
0x31: {  	v0 =	vnsel vm2, $0x0, v0  }
0x32: {  	v0 =	vmin.u32 v0, $0x7FF  }
0x33: {  	v0 =	vshll.u32 v0, $0x4;
	_ =	sdelay $0x3  }
0x34: {  	s13 =	sadd.s32 $0x800, s13  }
0x35: {  	[tilespmem:s13], [sflag:$0x1] =	stream.indirect_vreg.gather [hbm:s2], $0x80, v0, vm0, $0x38;
	[tilespmem:$0x4080] =	vst v63  }
0x36: {  	s13 =	sadd.s32 $0x400, s13  }
0x37: {  	[tilespmem:s13], [sflag:$0x1] =	stream.indirect_vreg.gather [hbm:s2], $0x80, v0, vm1, $0x38;
	[tilespmem:$0x4080] =	vst v63  }
0x38: {  	s12 =	sshll.u32 s12, $0x4;
	s14 =	simm.s32 $0x80;
	_ =	swait.ge [sflag:s4], $0x2000  }
0x39: {  	s15 =	simm.s32 $0x2480;
	s12 =	sadd.s32 s12, s7;
	[sflag:s4] =	ssyncset.done $0x0  }
0x3a: {  	s16 =	sadd.s32 $0x0, s12;
	s13 =	simm.s32 $0x2080;
	[sflag:s4] =	ssyncadd.s32 $0xFFFFE000  }
.LBB2_7:
0x3b: {  	[hbm:s16] =	stream.linear.scatter [tilespmem:s13], [sflag:$0x3], $0x400, $0x38;
	[tilespmem:$0x4080] =	vst v63  }
0x3c: {  	s16 =	smov.u32 s14;
	s13 =	smov.u32 s15;
	p0 =	sne.s32 s14, $0x380  }
.Ltmp5:
0x3d: {  	s14 =	sadd.s32 $0x80, s14;
	(pc) =	sbr.rel @p0 .LBB2_7-.Ltmp5, $2  }
0x3e: {  	_ =	sdelay $0x2  }
0x3f: {  	s15 =	sadd.s32 $0x400, s15;
	s16 =	sadd.s32 s16, s12  }
.Ltmp6:
0x40: {  	(pc) =	sbr.rel .LBB2_9-.Ltmp6, $2  }
0x41: {  	_ =	sdelay $0x2  }
0x42: {  	[hbm:s16] =	stream.linear.scatter [tilespmem:s13], [sflag:$0x3], $0x400, $0x38;
	[tilespmem:$0x4080] =	vst v63  }
.LBB2_2:
.Ltmp7:
0x43: {  	(pc) =	sbr.rel .LBB2_10-.Ltmp7, $4  }
0x44: {  	_ = 	snop  }
0x45: {  	s12 =	sshrl.u32 s11, $0x3  }
0x46: {  	s13 =	sand.u32 $0x7, s11;
	s12 =	sadd.s32 s3, s12  }
0x47: {  	[tilespmem:s9], [sflag:$0x2] =	stream.linear.gather [hbm4b:s12+s13], $0x40, $0x38;
	[tilespmem:$0x4080] =	vst v63  }
.LBB2_11:
0x48: {  	s2 =	simm.s32 $0x3  }
0x49: {  	_ =	swait.ge [sflag:s2], $0x2000  }
0x4a: {  	[sflag:s2] =	ssyncset.done $0x0  }
0x4b: {  	[sflag:s2] =	ssyncadd.s32 $0xFFFFE000  }
0x4c: {  	_ =	sfence.sel $0x180000  }
0x4d: {  	s3 =	simm.s32 $0x2;
	[bflag:$0x0] =	sbarrier.arrive $0xFFFF  }
0x4e: {  	[sflag:s3] =	ssyncpa.u1 $0x1  }
0x4f: {  	s31 =	simm.s32 $0x1;
	[sflag:s2] =	ssyncpa.u1 $0x1  }
0x50: {  	[sflag:s31] =	ssyncpa.u1 $0x1  }
0x51: {  	p0 =	sne.s32 s1, $0x0;
	_ =	strace $0x90000047  }
0x52: {  	s0 =	sadd.s32 @!p0 $0x100000, s0;
	[bflag:$0x2] =	sbarrier.arrive $0xFFFF  }
0x53: {  	[sflag:s0] =	ssyncadd.tile.s32 @!p0 $0x1;
	_ =	shalt  }
.Lfunc_end2:
_tile_overlayer_lowered:
.L_overlay_start_2:
0x54: {  	(tag) =	ssettag $0x2  }
0x55: {  	s0 =	rddreg [dreg:$0x0];
	s2 =	stileid.u32  }
0x56: {  	s1 =	rddreg [dreg:$0x1];
	p0 =	sne.s32 s2, $0x0  }
0x57: {  	s3 =	rddreg [dreg:$0x2];
	[bflag:$0x3] =	sbarrier.arrive $0xFFFF;
	s2 =	simm.s32 @!p0 $0x1C01  }
0x58: {  	[timem:s3], [sflag:s2] =	dma.local @!p0 [hbm:s0], s1  }
0x59: {  	s0 =	simm.s32 @!p0 $0x1  }
0x5a: {  	_ =	swait.ge @!p0 [sflag:s0], s1  }
0x5b: {  	s1 =	ssub.s32 @!p0 $0x0, s1;
	[sflag:s0] =	ssyncset.done @!p0 $0x0  }
0x5c: {  	[sflag:s0] =	ssyncadd.s32 @!p0 s1  }
0x5d: {  	[bflag:$0x3] =	sbarrier.arrive $0xFFFF  }
0x5e: {  	_ =	shalt  }

</sc_bundles>
